<compile_context>
chip_gen: v7x
topology: tpu7x:2x2x1
jax: 0.10.2.dev20260603
libtpu: 0.0.44.dev20260713+nightly
codegen_flags: <defaults>
</compile_context>

<pallas_src>
import functools

import jax
import jax.numpy as jnp
from jax import lax
from jax.experimental import pallas as pl
from jax.experimental.pallas import tpu as pltpu
from jax.experimental.pallas import tpu_sc as plsc

_CW = 128
_DUMP = 16
_HB = 128


def _sc_info():
    info = plsc.get_sparse_core_info()
    return info.num_cores, info.num_subcores


def _pad_edges(senders, receivers, n):
    e = senders.shape[0]
    nc, ns = _sc_info()
    nw = nc * ns
    quantum = nw * _CW * 4
    epad = ((e + quantum - 1) // quantum) * quantum
    pad = epad - e
    if pad:
        senders = jnp.concatenate(
            [senders, jnp.zeros((pad,), jnp.int32)])
        receivers = jnp.concatenate(
            [receivers, n + (jnp.arange(pad, dtype=jnp.int32) % _DUMP)])
    return senders.reshape(-1, _CW), receivers.reshape(-1, _CW)


def _sc_segment_sum_count(nodes, send2d, recv2d):
    n, d = nodes.shape
    nchunks = send2d.shape[0]
    nc, ns = _sc_info()
    nw = nc * ns
    cpw = nchunks // nw
    hcpw = cpw // 2
    hpairs = hcpw // 2
    assert hcpw % 2 == 0
    assert n + _DUMP <= _HB * _HB
    stripe = (n // (ns * 8)) * 8
    tail = n - ns * stripe
    nfull, rem = divmod(stripe, _CW)
    assert tail % 8 == 0 and tail + _DUMP <= _CW and rem % 8 == 0

    mesh = plsc.VectorSubcoreMesh(core_axis_name="c", subcore_axis_name="s")

    @functools.partial(
        pl.kernel,
        mesh=mesh,
        compiler_params=pltpu.CompilerParams(needs_layout_passes=False),
        out_type=[
            jax.ShapeDtypeStruct((nc, n, d), jnp.float32),
            jax.ShapeDtypeStruct((nc, _HB, _HB), jnp.float32),
        ],
        scratch_types=[
            pltpu.VMEM((hcpw, _CW), jnp.int32),
            pltpu.VMEM((hcpw, _CW), jnp.int32),
            pltpu.VMEM((2 * _CW, d), jnp.float32),
            pltpu.VMEM_SHARED((n + _DUMP, d), jnp.float32),
            pltpu.VMEM_SHARED((_HB, _HB), jnp.float32),
            [pltpu.SemaphoreType.DMA] * 8,
        ],
    )
    def sc_kernel(nodes_hbm, send_hbm, recv_hbm, sums_out, cnts_out,
                  idx_s, idx_r, rows, acc, cnt_sh, sems):
        c = lax.axis_index("c")
        s = lax.axis_index("s")
        wid = s * nc + c
        base_row = s * stripe

        def fill_zero():
            def fill_row(i, _):
                for j in range(d // 16):
                    rows[i, pl.ds(j * 16, 16)] = jnp.zeros((16,), jnp.float32)
                return 0
            lax.fori_loop(0, _CW, fill_row, 0)

        zrow = rows.at[pl.ds(0, _CW)]

        def zero_acc():
            for r in range(nfull):
                pltpu.sync_copy(zrow,
                                acc.at[pl.ds(base_row + r * _CW, _CW)])
            if rem:
                pltpu.sync_copy(rows.at[pl.ds(0, rem)],
                                acc.at[pl.ds(base_row + nfull * _CW, rem)])

            @pl.when(s == 0)
            def _zero_tail():
                pltpu.sync_copy(rows.at[pl.ds(0, tail + _DUMP)],
                                acc.at[pl.ds(ns * stripe, tail + _DUMP)])

        fill_zero()
        zero_acc()
        plsc.subcore_barrier()

        for h in range(2):
            cbase = wid * cpw + h * hcpw
            pltpu.sync_copy(send_hbm.at[pl.ds(cbase, hcpw)], idx_s)
            pltpu.sync_copy(recv_hbm.at[pl.ds(cbase, hcpw)], idx_r)

            def fire_quad(chunk, half):
                for p in range(4):
                    pltpu.async_copy(
                        nodes_hbm.at[idx_s.at[chunk, pl.ds(p * 32, 32)]],
                        rows.at[pl.ds(half * _CW + p * 32, 32)],
                        sems[half * 4 + p])

            def drain_quad(half):
                for p in range(4):
                    pltpu.make_async_copy(
                        nodes_hbm.at[idx_s.at[0, pl.ds(0, 32)]],
                        rows.at[pl.ds(half * _CW + p * 32, 32)],
                        sems[half * 4 + p]).wait()

            fire_quad(0, 0)
            fire_quad(1, 1)

            def pair_body(j, _):
                drain_quad(0)
                pltpu.sync_copy(rows.at[pl.ds(0, _CW)],
                                acc.at[idx_r.at[2 * j]], add=True)

                @pl.when(j < hpairs - 1)
                def _f0():
                    fire_quad(2 * j + 2, 0)

                drain_quad(1)
                pltpu.sync_copy(rows.at[pl.ds(_CW, _CW)],
                                acc.at[idx_r.at[2 * j + 1]], add=True)

                @pl.when(j < hpairs - 1)
                def _f1():
                    fire_quad(2 * j + 3, 1)

                return 0

            lax.fori_loop(0, hpairs, pair_body, 0)

        plsc.subcore_barrier()
        pltpu.sync_copy(acc.at[pl.ds(base_row, stripe)],
                        sums_out.at[c, pl.ds(base_row, stripe)])

        @pl.when(s == 0)
        def _copy_tail():
            pltpu.sync_copy(acc.at[pl.ds(ns * stripe, tail)],
                            sums_out.at[c, pl.ds(ns * stripe, tail)])

        plsc.subcore_barrier()

        fill_zero()

        @pl.when(s == 0)
        def _zero_cnt():
            pltpu.sync_copy(zrow, cnt_sh)

        plsc.subcore_barrier()

        ones = jnp.ones((16,), jnp.float32)
        for h in range(2):
            cbase = wid * cpw + h * hcpw
            pltpu.sync_copy(recv_hbm.at[pl.ds(cbase, hcpw)], idx_r)

            def hist_row(r, _):
                for j in range(_CW // 16):
                    v = idx_r[r, pl.ds(j * 16, 16)]
                    hi = lax.shift_right_logical(v, 7)
                    lo = lax.bitwise_and(v, 127)
                    plsc.addupdate_scatter(rows, [hi, lo], ones)
                return 0

            lax.fori_loop(0, hcpw, hist_row, 0)

        base16 = lax.iota(jnp.int32, 16)
        for j in range(_CW // 16):
            idx_r[0, pl.ds(j * 16, 16)] = base16 + j * 16
        pltpu.sync_copy(zrow, cnt_sh.at[idx_r.at[0]], add=True)
        plsc.subcore_barrier()

        @pl.when(s == 0)
        def _copy_cnt():
            pltpu.sync_copy(cnt_sh, cnts_out.at[c])

    return sc_kernel(nodes, send2d, recv2d)


def _tc_finish(sums, cnts_col, nodes, w1, w2, b2):
    n, d = nodes.shape
    h = w1.shape[1]
    nc = sums.shape[0]
    rows = 2000
    grid = (n // rows,)

    def tc_kernel(sums_ref, cnts_ref, nodes_ref, w1_ref, w2_ref, b_ref,
                  out_ref):
        ssum = sums_ref[0]
        csum = cnts_ref[0]
        for i in range(1, nc):
            ssum = ssum + sums_ref[i]
            csum = csum + cnts_ref[i]
        he = ssum / jnp.maximum(csum, 1.0)
        acc = jnp.dot(he, w1_ref[...], preferred_element_type=jnp.float32)
        acc = acc + jnp.dot(nodes_ref[...], w2_ref[...],
                            preferred_element_type=jnp.float32)
        out_ref[...] = jnp.maximum(acc + b_ref[...], 0.0)

    return pl.pallas_call(
        tc_kernel,
        grid=grid,
        in_specs=[
            pl.BlockSpec((nc, rows, d), lambda i: (0, i, 0)),
            pl.BlockSpec((nc, rows, 1), lambda i: (0, i, 0)),
            pl.BlockSpec((rows, d), lambda i: (i, 0)),
            pl.BlockSpec((d, h), lambda i: (0, 0)),
            pl.BlockSpec((d, h), lambda i: (0, 0)),
            pl.BlockSpec((1, h), lambda i: (0, 0)),
        ],
        out_specs=pl.BlockSpec((rows, h), lambda i: (i, 0)),
        out_shape=jax.ShapeDtypeStruct((n, h), jnp.float32),
    )(sums, cnts_col, nodes, w1, w2, b2)


def kernel(nodes, senders, receivers, W, b):
    n, d = nodes.shape
    send2d, recv2d = _pad_edges(
        senders.astype(jnp.int32), receivers.astype(jnp.int32), n)
    sums, cnts = _sc_segment_sum_count(nodes, send2d, recv2d)
    nc = cnts.shape[0]
    cnts_col = cnts.reshape(nc, _HB * _HB)[:, :n, None]
    return _tc_finish(sums, cnts_col, nodes, W[:d], W[d:], b.reshape(1, -1))

# --- scband reference (transcript-rebuilt; emitter-appended) ---
"""Pipeline reference for scband-graph-sage-layer-30657476558871 (READ-ONLY COPY).

The authoritative reference and input builder live on the scoring server;
editing this copy changes nothing except your own understanding.
"""

import jax, jax.numpy as jnp
import numpy as np

N = 10000
E = 320000
D = 128
H = 128


def segment_mean(data, segment_ids, num_segments):
    seg_sum = jax.ops.segment_sum(data, segment_ids, num_segments)
    counts = jax.ops.segment_sum(jnp.ones((data.shape[0], 1), data.dtype), segment_ids, num_segments)
    return seg_sum / jnp.maximum(counts, 1.0)


def setup_inputs(seed: int = 0) -> dict:
    key = jax.random.key(seed)
    k1, k2, k3, k4, k5 = jax.random.split(key, 5)
    nodes = jax.random.normal(k1, (N, D), dtype=jnp.float32)
    senders = jax.random.randint(k2, (E,), 0, N)
    receivers = jax.random.randint(k3, (E,), 0, N)
    # Dense layer params: input is concat([h_e, nodes]) -> 2*D features, output H
    W = jax.random.normal(k4, (2 * D, H), dtype=jnp.float32) / np.sqrt(2 * D)
    b = jnp.zeros((H,), dtype=jnp.float32)
    return {"nodes": nodes, "senders": senders, "receivers": receivers, "W": W, "b": b}


def reference(nodes, senders, receivers, W, b):
    total_num_nodes = nodes.shape[0]
    # gather sender features, mean-aggregate onto receivers
    h_e = segment_mean(nodes[senders], receivers, total_num_nodes)
    h = jnp.concatenate([h_e, nodes], -1) @ W + b
    return jax.nn.relu(h)

if __name__ == "__main__":
    import jax
    _d = setup_inputs()
    print(jax.jit(kernel)(*tuple(_d.values())))

</pallas_src>

<mosaic_0001>
#map = affine_map<(d0, d1) -> (0, 0)>
#map1 = affine_map<(d0, d1) -> (0, 0, 0)>
module attributes {stable_mosaic.version = 14 : i64} {
  func.func @sc_kernel(%arg0: i32, %arg1: i32, %arg2: memref<10000x128xf32, #tpu.memory_space<hbm>>, %arg3: memref<2560x128xi32, #tpu.memory_space<hbm>>, %arg4: memref<2560x128xi32, #tpu.memory_space<hbm>>, %arg5: memref<2x10000x128xf32, #tpu.memory_space<hbm>>, %arg6: memref<2x128x128xf32, #tpu.memory_space<hbm>>, %arg7: memref<40x128xi32, #tpu.memory_space<vmem>>, %arg8: memref<40x128xi32, #tpu.memory_space<vmem>>, %arg9: memref<256x128xf32, #tpu.memory_space<vmem>>, %arg10: memref<10016x128xf32, #tpu.memory_space<vmem_shared>>, %arg11: memref<128x128xf32, #tpu.memory_space<vmem_shared>>, %arg12: memref<!tpu.dma_semaphore, #tpu.memory_space<semaphore_mem>>, %arg13: memref<!tpu.dma_semaphore, #tpu.memory_space<semaphore_mem>>, %arg14: memref<!tpu.dma_semaphore, #tpu.memory_space<semaphore_mem>>, %arg15: memref<!tpu.dma_semaphore, #tpu.memory_space<semaphore_mem>>, %arg16: memref<!tpu.dma_semaphore, #tpu.memory_space<semaphore_mem>>, %arg17: memref<!tpu.dma_semaphore, #tpu.memory_space<semaphore_mem>>, %arg18: memref<!tpu.dma_semaphore, #tpu.memory_space<semaphore_mem>>, %arg19: memref<!tpu.dma_semaphore, #tpu.memory_space<semaphore_mem>>) attributes {dimension_semantics = [#tpu.dimension_semantics<core_parallel>, #tpu.dimension_semantics<subcore_parallel>], iteration_bounds = array<i64: 2, 16>, scalar_prefetch = 0 : i64, scratch_operands = 13 : i64, tpu.core_type = #tpu.core_type<sc_vector_subcore>, window_params = [{transform_indices = #map}, {transform_indices = #map}, {transform_indices = #map}, {transform_indices = #map1}, {transform_indices = #map1}]} {
    %mul3A = arith.constant 2 : i32
    %mul3A_0 = arith.muli %arg1, %mul3A : i32
    %add3A = arith.addi %mul3A_0, %arg0 : i32
    %mul3A_1 = arith.constant 624 : i32
    %mul3A_2 = arith.muli %arg1, %mul3A_1 : i32
    %scan3A = arith.constant 0 : i32
    %scan3A_3 = arith.constant 0 : i32
    %scan3A_4 = arith.constant 128 : i32
    %scan3A_5 = arith.addi %scan3A_3, %scan3A_4 : i32
    %scan3A_6 = arith.constant 1 : i32
    %scan3A_7 = scf.for %scan3A_306 = %scan3A_3 to %scan3A_5 step %scan3A_6 iter_args(%scan3A_307 = %scan3A) -> (i32)  : i32 {
      %broadcast_in_dim3A_308 = arith.constant 0.000000e+00 : f32
      %broadcast_in_dim3A_309 = vector.broadcast %broadcast_in_dim3A_308 : f32 to vector<16xf32>
      %swap3A_310 = arith.index_cast %scan3A_306 : i32 to index
      %swap3A_311 = arith.constant 0 : index
      %swap3A_312 = tpu.vector_load %arg9[%swap3A_310, %swap3A_311] {strides = array<i32>} : memref<256x128xf32, #tpu.memory_space<vmem>>, vector<16xf32>,
      tpu.vector_store %arg9[%swap3A_310, %swap3A_311], %broadcast_in_dim3A_309 {strides = array<i32>} : memref<256x128xf32, #tpu.memory_space<vmem>>, vector<16xf32>,
      %broadcast_in_dim3A_313 = arith.constant 0.000000e+00 : f32
      %broadcast_in_dim3A_314 = vector.broadcast %broadcast_in_dim3A_313 : f32 to vector<16xf32>
      %swap3A_315 = arith.index_cast %scan3A_306 : i32 to index
      %swap3A_316 = arith.constant 16 : index
      %swap3A_317 = tpu.vector_load %arg9[%swap3A_315, %swap3A_316] {strides = array<i32>} : memref<256x128xf32, #tpu.memory_space<vmem>>, vector<16xf32>,
      tpu.vector_store %arg9[%swap3A_315, %swap3A_316], %broadcast_in_dim3A_314 {strides = array<i32>} : memref<256x128xf32, #tpu.memory_space<vmem>>, vector<16xf32>,
      %broadcast_in_dim3A_318 = arith.constant 0.000000e+00 : f32
      %broadcast_in_dim3A_319 = vector.broadcast %broadcast_in_dim3A_318 : f32 to vector<16xf32>
      %swap3A_320 = arith.index_cast %scan3A_306 : i32 to index
      %swap3A_321 = arith.constant 32 : index
      %swap3A_322 = tpu.vector_load %arg9[%swap3A_320, %swap3A_321] {strides = array<i32>} : memref<256x128xf32, #tpu.memory_space<vmem>>, vector<16xf32>,
      tpu.vector_store %arg9[%swap3A_320, %swap3A_321], %broadcast_in_dim3A_319 {strides = array<i32>} : memref<256x128xf32, #tpu.memory_space<vmem>>, vector<16xf32>,
      %broadcast_in_dim3A_323 = arith.constant 0.000000e+00 : f32
      %broadcast_in_dim3A_324 = vector.broadcast %broadcast_in_dim3A_323 : f32 to vector<16xf32>
      %swap3A_325 = arith.index_cast %scan3A_306 : i32 to index
      %swap3A_326 = arith.constant 48 : index
      %swap3A_327 = tpu.vector_load %arg9[%swap3A_325, %swap3A_326] {strides = array<i32>} : memref<256x128xf32, #tpu.memory_space<vmem>>, vector<16xf32>,
      tpu.vector_store %arg9[%swap3A_325, %swap3A_326], %broadcast_in_dim3A_324 {strides = array<i32>} : memref<256x128xf32, #tpu.memory_space<vmem>>, vector<16xf32>,
      %broadcast_in_dim3A_328 = arith.constant 0.000000e+00 : f32
      %broadcast_in_dim3A_329 = vector.broadcast %broadcast_in_dim3A_328 : f32 to vector<16xf32>
      %swap3A_330 = arith.index_cast %scan3A_306 : i32 to index
      %swap3A_331 = arith.constant 64 : index
      %swap3A_332 = tpu.vector_load %arg9[%swap3A_330, %swap3A_331] {strides = array<i32>} : memref<256x128xf32, #tpu.memory_space<vmem>>, vector<16xf32>,
      tpu.vector_store %arg9[%swap3A_330, %swap3A_331], %broadcast_in_dim3A_329 {strides = array<i32>} : memref<256x128xf32, #tpu.memory_space<vmem>>, vector<16xf32>,
      %broadcast_in_dim3A_333 = arith.constant 0.000000e+00 : f32
      %broadcast_in_dim3A_334 = vector.broadcast %broadcast_in_dim3A_333 : f32 to vector<16xf32>
      %swap3A_335 = arith.index_cast %scan3A_306 : i32 to index
      %swap3A_336 = arith.constant 80 : index
      %swap3A_337 = tpu.vector_load %arg9[%swap3A_335, %swap3A_336] {strides = array<i32>} : memref<256x128xf32, #tpu.memory_space<vmem>>, vector<16xf32>,
      tpu.vector_store %arg9[%swap3A_335, %swap3A_336], %broadcast_in_dim3A_334 {strides = array<i32>} : memref<256x128xf32, #tpu.memory_space<vmem>>, vector<16xf32>,
      %broadcast_in_dim3A_338 = arith.constant 0.000000e+00 : f32
      %broadcast_in_dim3A_339 = vector.broadcast %broadcast_in_dim3A_338 : f32 to vector<16xf32>
      %swap3A_340 = arith.index_cast %scan3A_306 : i32 to index
      %swap3A_341 = arith.constant 96 : index
      %swap3A_342 = tpu.vector_load %arg9[%swap3A_340, %swap3A_341] {strides = array<i32>} : memref<256x128xf32, #tpu.memory_space<vmem>>, vector<16xf32>,
      tpu.vector_store %arg9[%swap3A_340, %swap3A_341], %broadcast_in_dim3A_339 {strides = array<i32>} : memref<256x128xf32, #tpu.memory_space<vmem>>, vector<16xf32>,
      %broadcast_in_dim3A_343 = arith.constant 0.000000e+00 : f32
      %broadcast_in_dim3A_344 = vector.broadcast %broadcast_in_dim3A_343 : f32 to vector<16xf32>
      %swap3A_345 = arith.index_cast %scan3A_306 : i32 to index
      %swap3A_346 = arith.constant 112 : index
      %swap3A_347 = tpu.vector_load %arg9[%swap3A_345, %swap3A_346] {strides = array<i32>} : memref<256x128xf32, #tpu.memory_space<vmem>>, vector<16xf32>,
      tpu.vector_store %arg9[%swap3A_345, %swap3A_346], %broadcast_in_dim3A_344 {strides = array<i32>} : memref<256x128xf32, #tpu.memory_space<vmem>>, vector<16xf32>,
      %scan3A_348 = arith.constant 0 : i32
      scf.yield %scan3A_348 : i32
    }
    %scan3A_8 = arith.constant 128 : i32
    %add3A_9 = arith.constant 0 : i32
    %add3A_10 = arith.addi %mul3A_2, %add3A_9 : i32
    "tpu.region"() ({
      %run_scoped3A_306 = tpu.sem_alloc : memref<!tpu.dma_semaphore, #tpu.memory_space<semaphore_mem>>
      %dma_start3A_307 = arith.constant 0 : i32
      %dma_start3A_308 = arith.constant 0 : i32
      %dma_start3A_309 = tpu.memref_slice %arg9[%dma_start3A_307, %dma_start3A_308] : memref<256x128xf32, #tpu.memory_space<vmem>> -> memref<128x128xf32, #tpu.memory_space<vmem>>
      %dma_start3A_310 = arith.constant 0 : i32
      %dma_start3A_311 = tpu.memref_slice %arg10[%add3A_10, %dma_start3A_310] : memref<10016x128xf32, #tpu.memory_space<vmem_shared>> -> memref<128x128xf32, #tpu.memory_space<vmem_shared>>
      %dma_start3A_312 = arith.constant 0 : i32
      %dma_start3A_313 = tpu.memref_slice %arg10[%add3A_10, %dma_start3A_312] : memref<10016x128xf32, #tpu.memory_space<vmem_shared>> -> memref<128x128xf32, #tpu.memory_space<vmem_shared>>
      %dma_start3A_314 = arith.constant 0 : i32
      %dma_start3A_315 = arith.constant 0 : i32
      %dma_start3A_316 = tpu.memref_slice %arg9[%dma_start3A_314, %dma_start3A_315] : memref<256x128xf32, #tpu.memory_space<vmem>> -> memref<128x128xf32, #tpu.memory_space<vmem>>
      tpu.enqueue_dma source(%dma_start3A_316 : memref<128x128xf32, #tpu.memory_space<vmem>>) target(%dma_start3A_313 : memref<128x128xf32, #tpu.memory_space<vmem_shared>>) target_semaphore(%run_scoped3A_306 : memref<!tpu.dma_semaphore, #tpu.memory_space<semaphore_mem>>)
      %dma_wait3A = arith.constant 0 : i32
      %dma_wait3A_317 = arith.constant 0 : i32
      %dma_wait3A_318 = tpu.memref_slice %arg9[%dma_wait3A, %dma_wait3A_317] : memref<256x128xf32, #tpu.memory_space<vmem>> -> memref<128x128xf32, #tpu.memory_space<vmem>>
      %dma_wait3A_319 = arith.constant 0 : i32
      %dma_wait3A_320 = tpu.memref_slice %arg10[%add3A_10, %dma_wait3A_319] : memref<10016x128xf32, #tpu.memory_space<vmem_shared>> -> memref<128x128xf32, #tpu.memory_space<vmem_shared>>
      %dma_wait3A_321 = arith.constant 0 : i32
      %dma_wait3A_322 = tpu.memref_slice %arg10[%add3A_10, %dma_wait3A_321] : memref<10016x128xf32, #tpu.memory_space<vmem_shared>> -> memref<128x128xf32, #tpu.memory_space<vmem_shared>>
      %dma_wait3A_323 = arith.constant 0 : i32
      %dma_wait3A_324 = arith.constant 0 : i32
      %dma_wait3A_325 = tpu.memref_slice %arg9[%dma_wait3A_323, %dma_wait3A_324] : memref<256x128xf32, #tpu.memory_space<vmem>> -> memref<128x128xf32, #tpu.memory_space<vmem>>
      tpu.wait_dma2 semaphore(%run_scoped3A_306 : memref<!tpu.dma_semaphore, #tpu.memory_space<semaphore_mem>>) src(%dma_wait3A_325 : memref<128x128xf32, #tpu.memory_space<vmem>>) dst(%dma_wait3A_322 : memref<128x128xf32, #tpu.memory_space<vmem_shared>>)
      tpu.yield
    }) : () -> ()
    %add3A_11 = arith.constant 128 : i32
    %add3A_12 = arith.addi %mul3A_2, %add3A_11 : i32
    "tpu.region"() ({
      %run_scoped3A_306 = tpu.sem_alloc : memref<!tpu.dma_semaphore, #tpu.memory_space<semaphore_mem>>
      %dma_start3A_307 = arith.constant 0 : i32
      %dma_start3A_308 = arith.constant 0 : i32
      %dma_start3A_309 = tpu.memref_slice %arg9[%dma_start3A_307, %dma_start3A_308] : memref<256x128xf32, #tpu.memory_space<vmem>> -> memref<128x128xf32, #tpu.memory_space<vmem>>
      %dma_start3A_310 = arith.constant 0 : i32
      %dma_start3A_311 = tpu.memref_slice %arg10[%add3A_12, %dma_start3A_310] : memref<10016x128xf32, #tpu.memory_space<vmem_shared>> -> memref<128x128xf32, #tpu.memory_space<vmem_shared>>
      %dma_start3A_312 = arith.constant 0 : i32
      %dma_start3A_313 = tpu.memref_slice %arg10[%add3A_12, %dma_start3A_312] : memref<10016x128xf32, #tpu.memory_space<vmem_shared>> -> memref<128x128xf32, #tpu.memory_space<vmem_shared>>
      %dma_start3A_314 = arith.constant 0 : i32
      %dma_start3A_315 = arith.constant 0 : i32
      %dma_start3A_316 = tpu.memref_slice %arg9[%dma_start3A_314, %dma_start3A_315] : memref<256x128xf32, #tpu.memory_space<vmem>> -> memref<128x128xf32, #tpu.memory_space<vmem>>
      tpu.enqueue_dma source(%dma_start3A_316 : memref<128x128xf32, #tpu.memory_space<vmem>>) target(%dma_start3A_313 : memref<128x128xf32, #tpu.memory_space<vmem_shared>>) target_semaphore(%run_scoped3A_306 : memref<!tpu.dma_semaphore, #tpu.memory_space<semaphore_mem>>)
      %dma_wait3A = arith.constant 0 : i32
      %dma_wait3A_317 = arith.constant 0 : i32
      %dma_wait3A_318 = tpu.memref_slice %arg9[%dma_wait3A, %dma_wait3A_317] : memref<256x128xf32, #tpu.memory_space<vmem>> -> memref<128x128xf32, #tpu.memory_space<vmem>>
      %dma_wait3A_319 = arith.constant 0 : i32
      %dma_wait3A_320 = tpu.memref_slice %arg10[%add3A_12, %dma_wait3A_319] : memref<10016x128xf32, #tpu.memory_space<vmem_shared>> -> memref<128x128xf32, #tpu.memory_space<vmem_shared>>
      %dma_wait3A_321 = arith.constant 0 : i32
      %dma_wait3A_322 = tpu.memref_slice %arg10[%add3A_12, %dma_wait3A_321] : memref<10016x128xf32, #tpu.memory_space<vmem_shared>> -> memref<128x128xf32, #tpu.memory_space<vmem_shared>>
      %dma_wait3A_323 = arith.constant 0 : i32
      %dma_wait3A_324 = arith.constant 0 : i32
      %dma_wait3A_325 = tpu.memref_slice %arg9[%dma_wait3A_323, %dma_wait3A_324] : memref<256x128xf32, #tpu.memory_space<vmem>> -> memref<128x128xf32, #tpu.memory_space<vmem>>
      tpu.wait_dma2 semaphore(%run_scoped3A_306 : memref<!tpu.dma_semaphore, #tpu.memory_space<semaphore_mem>>) src(%dma_wait3A_325 : memref<128x128xf32, #tpu.memory_space<vmem>>) dst(%dma_wait3A_322 : memref<128x128xf32, #tpu.memory_space<vmem_shared>>)
      tpu.yield
    }) : () -> ()
    %add3A_13 = arith.constant 256 : i32
    %add3A_14 = arith.addi %mul3A_2, %add3A_13 : i32
    "tpu.region"() ({
      %run_scoped3A_306 = tpu.sem_alloc : memref<!tpu.dma_semaphore, #tpu.memory_space<semaphore_mem>>
      %dma_start3A_307 = arith.constant 0 : i32
      %dma_start3A_308 = arith.constant 0 : i32
      %dma_start3A_309 = tpu.memref_slice %arg9[%dma_start3A_307, %dma_start3A_308] : memref<256x128xf32, #tpu.memory_space<vmem>> -> memref<128x128xf32, #tpu.memory_space<vmem>>
      %dma_start3A_310 = arith.constant 0 : i32
      %dma_start3A_311 = tpu.memref_slice %arg10[%add3A_14, %dma_start3A_310] : memref<10016x128xf32, #tpu.memory_space<vmem_shared>> -> memref<128x128xf32, #tpu.memory_space<vmem_shared>>
      %dma_start3A_312 = arith.constant 0 : i32
      %dma_start3A_313 = tpu.memref_slice %arg10[%add3A_14, %dma_start3A_312] : memref<10016x128xf32, #tpu.memory_space<vmem_shared>> -> memref<128x128xf32, #tpu.memory_space<vmem_shared>>
      %dma_start3A_314 = arith.constant 0 : i32
      %dma_start3A_315 = arith.constant 0 : i32
      %dma_start3A_316 = tpu.memref_slice %arg9[%dma_start3A_314, %dma_start3A_315] : memref<256x128xf32, #tpu.memory_space<vmem>> -> memref<128x128xf32, #tpu.memory_space<vmem>>
      tpu.enqueue_dma source(%dma_start3A_316 : memref<128x128xf32, #tpu.memory_space<vmem>>) target(%dma_start3A_313 : memref<128x128xf32, #tpu.memory_space<vmem_shared>>) target_semaphore(%run_scoped3A_306 : memref<!tpu.dma_semaphore, #tpu.memory_space<semaphore_mem>>)
      %dma_wait3A = arith.constant 0 : i32
      %dma_wait3A_317 = arith.constant 0 : i32
      %dma_wait3A_318 = tpu.memref_slice %arg9[%dma_wait3A, %dma_wait3A_317] : memref<256x128xf32, #tpu.memory_space<vmem>> -> memref<128x128xf32, #tpu.memory_space<vmem>>
      %dma_wait3A_319 = arith.constant 0 : i32
      %dma_wait3A_320 = tpu.memref_slice %arg10[%add3A_14, %dma_wait3A_319] : memref<10016x128xf32, #tpu.memory_space<vmem_shared>> -> memref<128x128xf32, #tpu.memory_space<vmem_shared>>
      %dma_wait3A_321 = arith.constant 0 : i32
      %dma_wait3A_322 = tpu.memref_slice %arg10[%add3A_14, %dma_wait3A_321] : memref<10016x128xf32, #tpu.memory_space<vmem_shared>> -> memref<128x128xf32, #tpu.memory_space<vmem_shared>>
      %dma_wait3A_323 = arith.constant 0 : i32
      %dma_wait3A_324 = arith.constant 0 : i32
      %dma_wait3A_325 = tpu.memref_slice %arg9[%dma_wait3A_323, %dma_wait3A_324] : memref<256x128xf32, #tpu.memory_space<vmem>> -> memref<128x128xf32, #tpu.memory_space<vmem>>
      tpu.wait_dma2 semaphore(%run_scoped3A_306 : memref<!tpu.dma_semaphore, #tpu.memory_space<semaphore_mem>>) src(%dma_wait3A_325 : memref<128x128xf32, #tpu.memory_space<vmem>>) dst(%dma_wait3A_322 : memref<128x128xf32, #tpu.memory_space<vmem_shared>>)
      tpu.yield
    }) : () -> ()
    %add3A_15 = arith.constant 384 : i32
    %add3A_16 = arith.addi %mul3A_2, %add3A_15 : i32
    "tpu.region"() ({
      %run_scoped3A_306 = tpu.sem_alloc : memref<!tpu.dma_semaphore, #tpu.memory_space<semaphore_mem>>
      %dma_start3A_307 = arith.constant 0 : i32
      %dma_start3A_308 = arith.constant 0 : i32
      %dma_start3A_309 = tpu.memref_slice %arg9[%dma_start3A_307, %dma_start3A_308] : memref<256x128xf32, #tpu.memory_space<vmem>> -> memref<128x128xf32, #tpu.memory_space<vmem>>
      %dma_start3A_310 = arith.constant 0 : i32
      %dma_start3A_311 = tpu.memref_slice %arg10[%add3A_16, %dma_start3A_310] : memref<10016x128xf32, #tpu.memory_space<vmem_shared>> -> memref<128x128xf32, #tpu.memory_space<vmem_shared>>
      %dma_start3A_312 = arith.constant 0 : i32
      %dma_start3A_313 = tpu.memref_slice %arg10[%add3A_16, %dma_start3A_312] : memref<10016x128xf32, #tpu.memory_space<vmem_shared>> -> memref<128x128xf32, #tpu.memory_space<vmem_shared>>
      %dma_start3A_314 = arith.constant 0 : i32
      %dma_start3A_315 = arith.constant 0 : i32
      %dma_start3A_316 = tpu.memref_slice %arg9[%dma_start3A_314, %dma_start3A_315] : memref<256x128xf32, #tpu.memory_space<vmem>> -> memref<128x128xf32, #tpu.memory_space<vmem>>
      tpu.enqueue_dma source(%dma_start3A_316 : memref<128x128xf32, #tpu.memory_space<vmem>>) target(%dma_start3A_313 : memref<128x128xf32, #tpu.memory_space<vmem_shared>>) target_semaphore(%run_scoped3A_306 : memref<!tpu.dma_semaphore, #tpu.memory_space<semaphore_mem>>)
      %dma_wait3A = arith.constant 0 : i32
      %dma_wait3A_317 = arith.constant 0 : i32
      %dma_wait3A_318 = tpu.memref_slice %arg9[%dma_wait3A, %dma_wait3A_317] : memref<256x128xf32, #tpu.memory_space<vmem>> -> memref<128x128xf32, #tpu.memory_space<vmem>>
      %dma_wait3A_319 = arith.constant 0 : i32
      %dma_wait3A_320 = tpu.memref_slice %arg10[%add3A_16, %dma_wait3A_319] : memref<10016x128xf32, #tpu.memory_space<vmem_shared>> -> memref<128x128xf32, #tpu.memory_space<vmem_shared>>
      %dma_wait3A_321 = arith.constant 0 : i32
      %dma_wait3A_322 = tpu.memref_slice %arg10[%add3A_16, %dma_wait3A_321] : memref<10016x128xf32, #tpu.memory_space<vmem_shared>> -> memref<128x128xf32, #tpu.memory_space<vmem_shared>>
      %dma_wait3A_323 = arith.constant 0 : i32
      %dma_wait3A_324 = arith.constant 0 : i32
      %dma_wait3A_325 = tpu.memref_slice %arg9[%dma_wait3A_323, %dma_wait3A_324] : memref<256x128xf32, #tpu.memory_space<vmem>> -> memref<128x128xf32, #tpu.memory_space<vmem>>
      tpu.wait_dma2 semaphore(%run_scoped3A_306 : memref<!tpu.dma_semaphore, #tpu.memory_space<semaphore_mem>>) src(%dma_wait3A_325 : memref<128x128xf32, #tpu.memory_space<vmem>>) dst(%dma_wait3A_322 : memref<128x128xf32, #tpu.memory_space<vmem_shared>>)
      tpu.yield
    }) : () -> ()
    %add3A_17 = arith.constant 512 : i32
    %add3A_18 = arith.addi %mul3A_2, %add3A_17 : i32
    "tpu.region"() ({
      %run_scoped3A_306 = tpu.sem_alloc : memref<!tpu.dma_semaphore, #tpu.memory_space<semaphore_mem>>
      %dma_start3A_307 = arith.constant 0 : i32
      %dma_start3A_308 = arith.constant 0 : i32
      %dma_start3A_309 = tpu.memref_slice %arg9[%dma_start3A_307, %dma_start3A_308] : memref<256x128xf32, #tpu.memory_space<vmem>> -> memref<112x128xf32, #tpu.memory_space<vmem>>
      %dma_start3A_310 = arith.constant 0 : i32
      %dma_start3A_311 = tpu.memref_slice %arg10[%add3A_18, %dma_start3A_310] : memref<10016x128xf32, #tpu.memory_space<vmem_shared>> -> memref<112x128xf32, #tpu.memory_space<vmem_shared>>
      %dma_start3A_312 = arith.constant 0 : i32
      %dma_start3A_313 = tpu.memref_slice %arg10[%add3A_18, %dma_start3A_312] : memref<10016x128xf32, #tpu.memory_space<vmem_shared>> -> memref<112x128xf32, #tpu.memory_space<vmem_shared>>
      %dma_start3A_314 = arith.constant 0 : i32
      %dma_start3A_315 = arith.constant 0 : i32
      %dma_start3A_316 = tpu.memref_slice %arg9[%dma_start3A_314, %dma_start3A_315] : memref<256x128xf32, #tpu.memory_space<vmem>> -> memref<112x128xf32, #tpu.memory_space<vmem>>
      tpu.enqueue_dma source(%dma_start3A_316 : memref<112x128xf32, #tpu.memory_space<vmem>>) target(%dma_start3A_313 : memref<112x128xf32, #tpu.memory_space<vmem_shared>>) target_semaphore(%run_scoped3A_306 : memref<!tpu.dma_semaphore, #tpu.memory_space<semaphore_mem>>)
      %dma_wait3A = arith.constant 0 : i32
      %dma_wait3A_317 = arith.constant 0 : i32
      %dma_wait3A_318 = tpu.memref_slice %arg9[%dma_wait3A, %dma_wait3A_317] : memref<256x128xf32, #tpu.memory_space<vmem>> -> memref<112x128xf32, #tpu.memory_space<vmem>>
      %dma_wait3A_319 = arith.constant 0 : i32
      %dma_wait3A_320 = tpu.memref_slice %arg10[%add3A_18, %dma_wait3A_319] : memref<10016x128xf32, #tpu.memory_space<vmem_shared>> -> memref<112x128xf32, #tpu.memory_space<vmem_shared>>
      %dma_wait3A_321 = arith.constant 0 : i32
      %dma_wait3A_322 = tpu.memref_slice %arg10[%add3A_18, %dma_wait3A_321] : memref<10016x128xf32, #tpu.memory_space<vmem_shared>> -> memref<112x128xf32, #tpu.memory_space<vmem_shared>>
      %dma_wait3A_323 = arith.constant 0 : i32
      %dma_wait3A_324 = arith.constant 0 : i32
      %dma_wait3A_325 = tpu.memref_slice %arg9[%dma_wait3A_323, %dma_wait3A_324] : memref<256x128xf32, #tpu.memory_space<vmem>> -> memref<112x128xf32, #tpu.memory_space<vmem>>
      tpu.wait_dma2 semaphore(%run_scoped3A_306 : memref<!tpu.dma_semaphore, #tpu.memory_space<semaphore_mem>>) src(%dma_wait3A_325 : memref<112x128xf32, #tpu.memory_space<vmem>>) dst(%dma_wait3A_322 : memref<112x128xf32, #tpu.memory_space<vmem_shared>>)
      tpu.yield
    }) : () -> ()
    %eq3A = arith.constant 0 : i32
    %eq3A_19 = arith.cmpi eq, %arg1, %eq3A : i32
    %convert_element_type3A = arith.extui %eq3A_19 : i1 to i32
    %cond3A = arith.constant 0 : i32
    %cond3A_20 = arith.cmpi ne, %convert_element_type3A, %cond3A : i32
    scf.if %cond3A_20 {
      "tpu.region"() ({
        %run_scoped3A_306 = tpu.sem_alloc : memref<!tpu.dma_semaphore, #tpu.memory_space<semaphore_mem>>
        %dma_start3A_307 = arith.constant 0 : i32
        %dma_start3A_308 = arith.constant 0 : i32
        %dma_start3A_309 = tpu.memref_slice %arg9[%dma_start3A_307, %dma_start3A_308] : memref<256x128xf32, #tpu.memory_space<vmem>> -> memref<32x128xf32, #tpu.memory_space<vmem>>
        %dma_start3A_310 = arith.constant 9984 : i32
        %dma_start3A_311 = arith.constant 0 : i32
        %dma_start3A_312 = tpu.memref_slice %arg10[%dma_start3A_310, %dma_start3A_311] : memref<10016x128xf32, #tpu.memory_space<vmem_shared>> -> memref<32x128xf32, #tpu.memory_space<vmem_shared>>
        %dma_start3A_313 = arith.constant 9984 : i32
        %dma_start3A_314 = arith.constant 0 : i32
        %dma_start3A_315 = tpu.memref_slice %arg10[%dma_start3A_313, %dma_start3A_314] : memref<10016x128xf32, #tpu.memory_space<vmem_shared>> -> memref<32x128xf32, #tpu.memory_space<vmem_shared>>
        %dma_start3A_316 = arith.constant 0 : i32
        %dma_start3A_317 = arith.constant 0 : i32
        %dma_start3A_318 = tpu.memref_slice %arg9[%dma_start3A_316, %dma_start3A_317] : memref<256x128xf32, #tpu.memory_space<vmem>> -> memref<32x128xf32, #tpu.memory_space<vmem>>
        tpu.enqueue_dma source(%dma_start3A_318 : memref<32x128xf32, #tpu.memory_space<vmem>>) target(%dma_start3A_315 : memref<32x128xf32, #tpu.memory_space<vmem_shared>>) target_semaphore(%run_scoped3A_306 : memref<!tpu.dma_semaphore, #tpu.memory_space<semaphore_mem>>)
        %dma_wait3A = arith.constant 0 : i32
        %dma_wait3A_319 = arith.constant 0 : i32
        %dma_wait3A_320 = tpu.memref_slice %arg9[%dma_wait3A, %dma_wait3A_319] : memref<256x128xf32, #tpu.memory_space<vmem>> -> memref<32x128xf32, #tpu.memory_space<vmem>>
        %dma_wait3A_321 = arith.constant 9984 : i32
        %dma_wait3A_322 = arith.constant 0 : i32
        %dma_wait3A_323 = tpu.memref_slice %arg10[%dma_wait3A_321, %dma_wait3A_322] : memref<10016x128xf32, #tpu.memory_space<vmem_shared>> -> memref<32x128xf32, #tpu.memory_space<vmem_shared>>
        %dma_wait3A_324 = arith.constant 9984 : i32
        %dma_wait3A_325 = arith.constant 0 : i32
        %dma_wait3A_326 = tpu.memref_slice %arg10[%dma_wait3A_324, %dma_wait3A_325] : memref<10016x128xf32, #tpu.memory_space<vmem_shared>> -> memref<32x128xf32, #tpu.memory_space<vmem_shared>>
        %dma_wait3A_327 = arith.constant 0 : i32
        %dma_wait3A_328 = arith.constant 0 : i32
        %dma_wait3A_329 = tpu.memref_slice %arg9[%dma_wait3A_327, %dma_wait3A_328] : memref<256x128xf32, #tpu.memory_space<vmem>> -> memref<32x128xf32, #tpu.memory_space<vmem>>
        tpu.wait_dma2 semaphore(%run_scoped3A_306 : memref<!tpu.dma_semaphore, #tpu.memory_space<semaphore_mem>>) src(%dma_wait3A_329 : memref<32x128xf32, #tpu.memory_space<vmem>>) dst(%dma_wait3A_326 : memref<32x128xf32, #tpu.memory_space<vmem_shared>>)
        tpu.yield
      }) : () -> ()
    } else {
    }
    %barrier3A = arith.constant 0 : index
    tpu.barrier barrier_id(%barrier3A)
    %mul3A_21 = arith.constant 80 : i32
    %mul3A_22 = arith.muli %add3A, %mul3A_21 : i32
    %add3A_23 = arith.constant 0 : i32
    %add3A_24 = arith.addi %mul3A_22, %add3A_23 : i32
    "tpu.region"() ({
      %run_scoped3A_306 = tpu.sem_alloc : memref<!tpu.dma_semaphore, #tpu.memory_space<semaphore_mem>>
      %dma_start3A_307 = arith.constant 0 : i32
      %dma_start3A_308 = tpu.memref_slice %arg3[%add3A_24, %dma_start3A_307] : memref<2560x128xi32, #tpu.memory_space<hbm>> -> memref<40x128xi32, #tpu.memory_space<hbm>>
      %dma_start3A_309 = arith.constant 0 : i32
      %dma_start3A_310 = tpu.memref_slice %arg3[%add3A_24, %dma_start3A_309] : memref<2560x128xi32, #tpu.memory_space<hbm>> -> memref<40x128xi32, #tpu.memory_space<hbm>>
      tpu.enqueue_dma source(%dma_start3A_310 : memref<40x128xi32, #tpu.memory_space<hbm>>) target(%arg7 : memref<40x128xi32, #tpu.memory_space<vmem>>) target_semaphore(%run_scoped3A_306 : memref<!tpu.dma_semaphore, #tpu.memory_space<semaphore_mem>>)
      %dma_wait3A = arith.constant 0 : i32
      %dma_wait3A_311 = tpu.memref_slice %arg3[%add3A_24, %dma_wait3A] : memref<2560x128xi32, #tpu.memory_space<hbm>> -> memref<40x128xi32, #tpu.memory_space<hbm>>
      %dma_wait3A_312 = arith.constant 0 : i32
      %dma_wait3A_313 = tpu.memref_slice %arg3[%add3A_24, %dma_wait3A_312] : memref<2560x128xi32, #tpu.memory_space<hbm>> -> memref<40x128xi32, #tpu.memory_space<hbm>>
      tpu.wait_dma2 semaphore(%run_scoped3A_306 : memref<!tpu.dma_semaphore, #tpu.memory_space<semaphore_mem>>) src(%dma_wait3A_313 : memref<40x128xi32, #tpu.memory_space<hbm>>) dst(%arg7 : memref<40x128xi32, #tpu.memory_space<vmem>>)
      tpu.yield
    }) : () -> ()
    "tpu.region"() ({
      %run_scoped3A_306 = tpu.sem_alloc : memref<!tpu.dma_semaphore, #tpu.memory_space<semaphore_mem>>
      %dma_start3A_307 = arith.constant 0 : i32
      %dma_start3A_308 = tpu.memref_slice %arg4[%add3A_24, %dma_start3A_307] : memref<2560x128xi32, #tpu.memory_space<hbm>> -> memref<40x128xi32, #tpu.memory_space<hbm>>
      %dma_start3A_309 = arith.constant 0 : i32
      %dma_start3A_310 = tpu.memref_slice %arg4[%add3A_24, %dma_start3A_309] : memref<2560x128xi32, #tpu.memory_space<hbm>> -> memref<40x128xi32, #tpu.memory_space<hbm>>
      tpu.enqueue_dma source(%dma_start3A_310 : memref<40x128xi32, #tpu.memory_space<hbm>>) target(%arg8 : memref<40x128xi32, #tpu.memory_space<vmem>>) target_semaphore(%run_scoped3A_306 : memref<!tpu.dma_semaphore, #tpu.memory_space<semaphore_mem>>)
      %dma_wait3A = arith.constant 0 : i32
      %dma_wait3A_311 = tpu.memref_slice %arg4[%add3A_24, %dma_wait3A] : memref<2560x128xi32, #tpu.memory_space<hbm>> -> memref<40x128xi32, #tpu.memory_space<hbm>>
      %dma_wait3A_312 = arith.constant 0 : i32
      %dma_wait3A_313 = tpu.memref_slice %arg4[%add3A_24, %dma_wait3A_312] : memref<2560x128xi32, #tpu.memory_space<hbm>> -> memref<40x128xi32, #tpu.memory_space<hbm>>
      tpu.wait_dma2 semaphore(%run_scoped3A_306 : memref<!tpu.dma_semaphore, #tpu.memory_space<semaphore_mem>>) src(%dma_wait3A_313 : memref<40x128xi32, #tpu.memory_space<hbm>>) dst(%arg8 : memref<40x128xi32, #tpu.memory_space<vmem>>)
      tpu.yield
    }) : () -> ()
    %dma_start3A = arith.constant 0 : i32
    %dma_start3A_25 = arith.constant 0 : i32
    %dma_start3A_26 = arith.constant 0 : i32
    %dma_start3A_27 = tpu.memref_slice %arg9[%dma_start3A_25, %dma_start3A_26] : memref<256x128xf32, #tpu.memory_space<vmem>> -> memref<32x128xf32, #tpu.memory_space<vmem>>
    %dma_start3A_28 = arith.constant 0 : i32
    %dma_start3A_29 = tpu.memref_slice %arg7[%dma_start3A, %dma_start3A_28] : memref<40x128xi32, #tpu.memory_space<vmem>> -> memref<1x32xi32, #tpu.memory_space<vmem>>
    %dma_start3A_30 = tpu.memref_squeeze %dma_start3A_29 : memref<1x32xi32, #tpu.memory_space<vmem>> -> memref<32xi32, #tpu.memory_space<vmem>>
    %dma_start3A_31 = arith.constant 0 : i32
    %dma_start3A_32 = arith.constant 0 : i32
    %dma_start3A_33 = tpu.memref_slice %arg2[%dma_start3A_31, %dma_start3A_32] : memref<10000x128xf32, #tpu.memory_space<hbm>> -> memref<10000x128xf32, #tpu.memory_space<hbm>>
    tpu.enqueue_indirect_dma source(%dma_start3A_33 : memref<10000x128xf32, #tpu.memory_space<hbm>>) target(%dma_start3A_27 : memref<32x128xf32, #tpu.memory_space<vmem>>) offsets(%dma_start3A_30 : memref<32xi32, #tpu.memory_space<vmem>>) semaphore(%arg12 : memref<!tpu.dma_semaphore, #tpu.memory_space<semaphore_mem>>)
    %dma_start3A_34 = arith.constant 0 : i32
    %dma_start3A_35 = arith.constant 32 : i32
    %dma_start3A_36 = arith.constant 0 : i32
    %dma_start3A_37 = tpu.memref_slice %arg9[%dma_start3A_35, %dma_start3A_36] : memref<256x128xf32, #tpu.memory_space<vmem>> -> memref<32x128xf32, #tpu.memory_space<vmem>>
    %dma_start3A_38 = arith.constant 32 : i32
    %dma_start3A_39 = tpu.memref_slice %arg7[%dma_start3A_34, %dma_start3A_38] : memref<40x128xi32, #tpu.memory_space<vmem>> -> memref<1x32xi32, #tpu.memory_space<vmem>>
    %dma_start3A_40 = tpu.memref_squeeze %dma_start3A_39 : memref<1x32xi32, #tpu.memory_space<vmem>> -> memref<32xi32, #tpu.memory_space<vmem>>
    %dma_start3A_41 = arith.constant 0 : i32
    %dma_start3A_42 = arith.constant 0 : i32
    %dma_start3A_43 = tpu.memref_slice %arg2[%dma_start3A_41, %dma_start3A_42] : memref<10000x128xf32, #tpu.memory_space<hbm>> -> memref<10000x128xf32, #tpu.memory_space<hbm>>
    tpu.enqueue_indirect_dma source(%dma_start3A_43 : memref<10000x128xf32, #tpu.memory_space<hbm>>) target(%dma_start3A_37 : memref<32x128xf32, #tpu.memory_space<vmem>>) offsets(%dma_start3A_40 : memref<32xi32, #tpu.memory_space<vmem>>) semaphore(%arg13 : memref<!tpu.dma_semaphore, #tpu.memory_space<semaphore_mem>>)
    %dma_start3A_44 = arith.constant 0 : i32
    %dma_start3A_45 = arith.constant 64 : i32
    %dma_start3A_46 = arith.constant 0 : i32
    %dma_start3A_47 = tpu.memref_slice %arg9[%dma_start3A_45, %dma_start3A_46] : memref<256x128xf32, #tpu.memory_space<vmem>> -> memref<32x128xf32, #tpu.memory_space<vmem>>
    %dma_start3A_48 = arith.constant 64 : i32
    %dma_start3A_49 = tpu.memref_slice %arg7[%dma_start3A_44, %dma_start3A_48] : memref<40x128xi32, #tpu.memory_space<vmem>> -> memref<1x32xi32, #tpu.memory_space<vmem>>
    %dma_start3A_50 = tpu.memref_squeeze %dma_start3A_49 : memref<1x32xi32, #tpu.memory_space<vmem>> -> memref<32xi32, #tpu.memory_space<vmem>>
    %dma_start3A_51 = arith.constant 0 : i32
    %dma_start3A_52 = arith.constant 0 : i32
    %dma_start3A_53 = tpu.memref_slice %arg2[%dma_start3A_51, %dma_start3A_52] : memref<10000x128xf32, #tpu.memory_space<hbm>> -> memref<10000x128xf32, #tpu.memory_space<hbm>>
    tpu.enqueue_indirect_dma source(%dma_start3A_53 : memref<10000x128xf32, #tpu.memory_space<hbm>>) target(%dma_start3A_47 : memref<32x128xf32, #tpu.memory_space<vmem>>) offsets(%dma_start3A_50 : memref<32xi32, #tpu.memory_space<vmem>>) semaphore(%arg14 : memref<!tpu.dma_semaphore, #tpu.memory_space<semaphore_mem>>)
    %dma_start3A_54 = arith.constant 0 : i32
    %dma_start3A_55 = arith.constant 96 : i32
    %dma_start3A_56 = arith.constant 0 : i32
    %dma_start3A_57 = tpu.memref_slice %arg9[%dma_start3A_55, %dma_start3A_56] : memref<256x128xf32, #tpu.memory_space<vmem>> -> memref<32x128xf32, #tpu.memory_space<vmem>>
    %dma_start3A_58 = arith.constant 96 : i32
    %dma_start3A_59 = tpu.memref_slice %arg7[%dma_start3A_54, %dma_start3A_58] : memref<40x128xi32, #tpu.memory_space<vmem>> -> memref<1x32xi32, #tpu.memory_space<vmem>>
    %dma_start3A_60 = tpu.memref_squeeze %dma_start3A_59 : memref<1x32xi32, #tpu.memory_space<vmem>> -> memref<32xi32, #tpu.memory_space<vmem>>
    %dma_start3A_61 = arith.constant 0 : i32
    %dma_start3A_62 = arith.constant 0 : i32
    %dma_start3A_63 = tpu.memref_slice %arg2[%dma_start3A_61, %dma_start3A_62] : memref<10000x128xf32, #tpu.memory_space<hbm>> -> memref<10000x128xf32, #tpu.memory_space<hbm>>
    tpu.enqueue_indirect_dma source(%dma_start3A_63 : memref<10000x128xf32, #tpu.memory_space<hbm>>) target(%dma_start3A_57 : memref<32x128xf32, #tpu.memory_space<vmem>>) offsets(%dma_start3A_60 : memref<32xi32, #tpu.memory_space<vmem>>) semaphore(%arg15 : memref<!tpu.dma_semaphore, #tpu.memory_space<semaphore_mem>>)
    %dma_start3A_64 = arith.constant 1 : i32
    %dma_start3A_65 = arith.constant 128 : i32
    %dma_start3A_66 = arith.constant 0 : i32
    %dma_start3A_67 = tpu.memref_slice %arg9[%dma_start3A_65, %dma_start3A_66] : memref<256x128xf32, #tpu.memory_space<vmem>> -> memref<32x128xf32, #tpu.memory_space<vmem>>
    %dma_start3A_68 = arith.constant 0 : i32
    %dma_start3A_69 = tpu.memref_slice %arg7[%dma_start3A_64, %dma_start3A_68] : memref<40x128xi32, #tpu.memory_space<vmem>> -> memref<1x32xi32, #tpu.memory_space<vmem>>
    %dma_start3A_70 = tpu.memref_squeeze %dma_start3A_69 : memref<1x32xi32, #tpu.memory_space<vmem>> -> memref<32xi32, #tpu.memory_space<vmem>>
    %dma_start3A_71 = arith.constant 0 : i32
    %dma_start3A_72 = arith.constant 0 : i32
    %dma_start3A_73 = tpu.memref_slice %arg2[%dma_start3A_71, %dma_start3A_72] : memref<10000x128xf32, #tpu.memory_space<hbm>> -> memref<10000x128xf32, #tpu.memory_space<hbm>>
    tpu.enqueue_indirect_dma source(%dma_start3A_73 : memref<10000x128xf32, #tpu.memory_space<hbm>>) target(%dma_start3A_67 : memref<32x128xf32, #tpu.memory_space<vmem>>) offsets(%dma_start3A_70 : memref<32xi32, #tpu.memory_space<vmem>>) semaphore(%arg16 : memref<!tpu.dma_semaphore, #tpu.memory_space<semaphore_mem>>)
    %dma_start3A_74 = arith.constant 1 : i32
    %dma_start3A_75 = arith.constant 160 : i32
    %dma_start3A_76 = arith.constant 0 : i32
    %dma_start3A_77 = tpu.memref_slice %arg9[%dma_start3A_75, %dma_start3A_76] : memref<256x128xf32, #tpu.memory_space<vmem>> -> memref<32x128xf32, #tpu.memory_space<vmem>>
    %dma_start3A_78 = arith.constant 32 : i32
    %dma_start3A_79 = tpu.memref_slice %arg7[%dma_start3A_74, %dma_start3A_78] : memref<40x128xi32, #tpu.memory_space<vmem>> -> memref<1x32xi32, #tpu.memory_space<vmem>>
    %dma_start3A_80 = tpu.memref_squeeze %dma_start3A_79 : memref<1x32xi32, #tpu.memory_space<vmem>> -> memref<32xi32, #tpu.memory_space<vmem>>
    %dma_start3A_81 = arith.constant 0 : i32
    %dma_start3A_82 = arith.constant 0 : i32
    %dma_start3A_83 = tpu.memref_slice %arg2[%dma_start3A_81, %dma_start3A_82] : memref<10000x128xf32, #tpu.memory_space<hbm>> -> memref<10000x128xf32, #tpu.memory_space<hbm>>
    tpu.enqueue_indirect_dma source(%dma_start3A_83 : memref<10000x128xf32, #tpu.memory_space<hbm>>) target(%dma_start3A_77 : memref<32x128xf32, #tpu.memory_space<vmem>>) offsets(%dma_start3A_80 : memref<32xi32, #tpu.memory_space<vmem>>) semaphore(%arg17 : memref<!tpu.dma_semaphore, #tpu.memory_space<semaphore_mem>>)
    %dma_start3A_84 = arith.constant 1 : i32
    %dma_start3A_85 = arith.constant 192 : i32
    %dma_start3A_86 = arith.constant 0 : i32
    %dma_start3A_87 = tpu.memref_slice %arg9[%dma_start3A_85, %dma_start3A_86] : memref<256x128xf32, #tpu.memory_space<vmem>> -> memref<32x128xf32, #tpu.memory_space<vmem>>
    %dma_start3A_88 = arith.constant 64 : i32
    %dma_start3A_89 = tpu.memref_slice %arg7[%dma_start3A_84, %dma_start3A_88] : memref<40x128xi32, #tpu.memory_space<vmem>> -> memref<1x32xi32, #tpu.memory_space<vmem>>
    %dma_start3A_90 = tpu.memref_squeeze %dma_start3A_89 : memref<1x32xi32, #tpu.memory_space<vmem>> -> memref<32xi32, #tpu.memory_space<vmem>>
    %dma_start3A_91 = arith.constant 0 : i32
    %dma_start3A_92 = arith.constant 0 : i32
    %dma_start3A_93 = tpu.memref_slice %arg2[%dma_start3A_91, %dma_start3A_92] : memref<10000x128xf32, #tpu.memory_space<hbm>> -> memref<10000x128xf32, #tpu.memory_space<hbm>>
    tpu.enqueue_indirect_dma source(%dma_start3A_93 : memref<10000x128xf32, #tpu.memory_space<hbm>>) target(%dma_start3A_87 : memref<32x128xf32, #tpu.memory_space<vmem>>) offsets(%dma_start3A_90 : memref<32xi32, #tpu.memory_space<vmem>>) semaphore(%arg18 : memref<!tpu.dma_semaphore, #tpu.memory_space<semaphore_mem>>)
    %dma_start3A_94 = arith.constant 1 : i32
    %dma_start3A_95 = arith.constant 224 : i32
    %dma_start3A_96 = arith.constant 0 : i32
    %dma_start3A_97 = tpu.memref_slice %arg9[%dma_start3A_95, %dma_start3A_96] : memref<256x128xf32, #tpu.memory_space<vmem>> -> memref<32x128xf32, #tpu.memory_space<vmem>>
    %dma_start3A_98 = arith.constant 96 : i32
    %dma_start3A_99 = tpu.memref_slice %arg7[%dma_start3A_94, %dma_start3A_98] : memref<40x128xi32, #tpu.memory_space<vmem>> -> memref<1x32xi32, #tpu.memory_space<vmem>>
    %dma_start3A_100 = tpu.memref_squeeze %dma_start3A_99 : memref<1x32xi32, #tpu.memory_space<vmem>> -> memref<32xi32, #tpu.memory_space<vmem>>
    %dma_start3A_101 = arith.constant 0 : i32
    %dma_start3A_102 = arith.constant 0 : i32
    %dma_start3A_103 = tpu.memref_slice %arg2[%dma_start3A_101, %dma_start3A_102] : memref<10000x128xf32, #tpu.memory_space<hbm>> -> memref<10000x128xf32, #tpu.memory_space<hbm>>
    tpu.enqueue_indirect_dma source(%dma_start3A_103 : memref<10000x128xf32, #tpu.memory_space<hbm>>) target(%dma_start3A_97 : memref<32x128xf32, #tpu.memory_space<vmem>>) offsets(%dma_start3A_100 : memref<32xi32, #tpu.memory_space<vmem>>) semaphore(%arg19 : memref<!tpu.dma_semaphore, #tpu.memory_space<semaphore_mem>>)
    %scan3A_104 = arith.constant 0 : i32
    %scan3A_105 = arith.constant 0 : i32
    %scan3A_106 = arith.constant 20 : i32
    %scan3A_107 = arith.addi %scan3A_105, %scan3A_106 : i32
    %scan3A_108 = arith.constant 1 : i32
    %scan3A_109 = scf.for %scan3A_306 = %scan3A_105 to %scan3A_107 step %scan3A_108 iter_args(%scan3A_307 = %scan3A_104) -> (i32)  : i32 {
      %dma_wait3A = arith.constant 0 : i32
      %dma_wait3A_308 = arith.constant 0 : i32
      %dma_wait3A_309 = arith.constant 0 : i32
      %dma_wait3A_310 = tpu.memref_slice %arg9[%dma_wait3A_308, %dma_wait3A_309] : memref<256x128xf32, #tpu.memory_space<vmem>> -> memref<32x128xf32, #tpu.memory_space<vmem>>
      %dma_wait3A_311 = arith.constant 0 : i32
      %dma_wait3A_312 = tpu.memref_slice %arg7[%dma_wait3A, %dma_wait3A_311] : memref<40x128xi32, #tpu.memory_space<vmem>> -> memref<1x32xi32, #tpu.memory_space<vmem>>
      %dma_wait3A_313 = tpu.memref_squeeze %dma_wait3A_312 : memref<1x32xi32, #tpu.memory_space<vmem>> -> memref<32xi32, #tpu.memory_space<vmem>>
      %dma_wait3A_314 = arith.constant 0 : i32
      %dma_wait3A_315 = arith.constant 0 : i32
      %dma_wait3A_316 = tpu.memref_slice %arg2[%dma_wait3A_314, %dma_wait3A_315] : memref<10000x128xf32, #tpu.memory_space<hbm>> -> memref<10000x128xf32, #tpu.memory_space<hbm>>
      tpu.wait_indirect_dma semaphore(%arg12 : memref<!tpu.dma_semaphore, #tpu.memory_space<semaphore_mem>>) src(%dma_wait3A_316 : memref<10000x128xf32, #tpu.memory_space<hbm>>) dst(%dma_wait3A_310 : memref<32x128xf32, #tpu.memory_space<vmem>>)
      %dma_wait3A_317 = arith.constant 0 : i32
      %dma_wait3A_318 = arith.constant 32 : i32
      %dma_wait3A_319 = arith.constant 0 : i32
      %dma_wait3A_320 = tpu.memref_slice %arg9[%dma_wait3A_318, %dma_wait3A_319] : memref<256x128xf32, #tpu.memory_space<vmem>> -> memref<32x128xf32, #tpu.memory_space<vmem>>
      %dma_wait3A_321 = arith.constant 0 : i32
      %dma_wait3A_322 = tpu.memref_slice %arg7[%dma_wait3A_317, %dma_wait3A_321] : memref<40x128xi32, #tpu.memory_space<vmem>> -> memref<1x32xi32, #tpu.memory_space<vmem>>
      %dma_wait3A_323 = tpu.memref_squeeze %dma_wait3A_322 : memref<1x32xi32, #tpu.memory_space<vmem>> -> memref<32xi32, #tpu.memory_space<vmem>>
      %dma_wait3A_324 = arith.constant 0 : i32
      %dma_wait3A_325 = arith.constant 0 : i32
      %dma_wait3A_326 = tpu.memref_slice %arg2[%dma_wait3A_324, %dma_wait3A_325] : memref<10000x128xf32, #tpu.memory_space<hbm>> -> memref<10000x128xf32, #tpu.memory_space<hbm>>
      tpu.wait_indirect_dma semaphore(%arg13 : memref<!tpu.dma_semaphore, #tpu.memory_space<semaphore_mem>>) src(%dma_wait3A_326 : memref<10000x128xf32, #tpu.memory_space<hbm>>) dst(%dma_wait3A_320 : memref<32x128xf32, #tpu.memory_space<vmem>>)
      %dma_wait3A_327 = arith.constant 0 : i32
      %dma_wait3A_328 = arith.constant 64 : i32
      %dma_wait3A_329 = arith.constant 0 : i32
      %dma_wait3A_330 = tpu.memref_slice %arg9[%dma_wait3A_328, %dma_wait3A_329] : memref<256x128xf32, #tpu.memory_space<vmem>> -> memref<32x128xf32, #tpu.memory_space<vmem>>
      %dma_wait3A_331 = arith.constant 0 : i32
      %dma_wait3A_332 = tpu.memref_slice %arg7[%dma_wait3A_327, %dma_wait3A_331] : memref<40x128xi32, #tpu.memory_space<vmem>> -> memref<1x32xi32, #tpu.memory_space<vmem>>
      %dma_wait3A_333 = tpu.memref_squeeze %dma_wait3A_332 : memref<1x32xi32, #tpu.memory_space<vmem>> -> memref<32xi32, #tpu.memory_space<vmem>>
      %dma_wait3A_334 = arith.constant 0 : i32
      %dma_wait3A_335 = arith.constant 0 : i32
      %dma_wait3A_336 = tpu.memref_slice %arg2[%dma_wait3A_334, %dma_wait3A_335] : memref<10000x128xf32, #tpu.memory_space<hbm>> -> memref<10000x128xf32, #tpu.memory_space<hbm>>
      tpu.wait_indirect_dma semaphore(%arg14 : memref<!tpu.dma_semaphore, #tpu.memory_space<semaphore_mem>>) src(%dma_wait3A_336 : memref<10000x128xf32, #tpu.memory_space<hbm>>) dst(%dma_wait3A_330 : memref<32x128xf32, #tpu.memory_space<vmem>>)
      %dma_wait3A_337 = arith.constant 0 : i32
      %dma_wait3A_338 = arith.constant 96 : i32
      %dma_wait3A_339 = arith.constant 0 : i32
      %dma_wait3A_340 = tpu.memref_slice %arg9[%dma_wait3A_338, %dma_wait3A_339] : memref<256x128xf32, #tpu.memory_space<vmem>> -> memref<32x128xf32, #tpu.memory_space<vmem>>
      %dma_wait3A_341 = arith.constant 0 : i32
      %dma_wait3A_342 = tpu.memref_slice %arg7[%dma_wait3A_337, %dma_wait3A_341] : memref<40x128xi32, #tpu.memory_space<vmem>> -> memref<1x32xi32, #tpu.memory_space<vmem>>
      %dma_wait3A_343 = tpu.memref_squeeze %dma_wait3A_342 : memref<1x32xi32, #tpu.memory_space<vmem>> -> memref<32xi32, #tpu.memory_space<vmem>>
      %dma_wait3A_344 = arith.constant 0 : i32
      %dma_wait3A_345 = arith.constant 0 : i32
      %dma_wait3A_346 = tpu.memref_slice %arg2[%dma_wait3A_344, %dma_wait3A_345] : memref<10000x128xf32, #tpu.memory_space<hbm>> -> memref<10000x128xf32, #tpu.memory_space<hbm>>
      tpu.wait_indirect_dma semaphore(%arg15 : memref<!tpu.dma_semaphore, #tpu.memory_space<semaphore_mem>>) src(%dma_wait3A_346 : memref<10000x128xf32, #tpu.memory_space<hbm>>) dst(%dma_wait3A_340 : memref<32x128xf32, #tpu.memory_space<vmem>>)
      %mul3A_347 = arith.constant 2 : i32
      %mul3A_348 = arith.muli %mul3A_347, %scan3A_306 : i32
      "tpu.region"() ({
        %run_scoped3A_403 = tpu.sem_alloc : memref<!tpu.dma_semaphore, #tpu.memory_space<semaphore_mem>>
        %dma_start3A_404 = arith.constant 0 : i32
        %dma_start3A_405 = arith.constant 0 : i32
        %dma_start3A_406 = tpu.memref_slice %arg9[%dma_start3A_404, %dma_start3A_405] : memref<256x128xf32, #tpu.memory_space<vmem>> -> memref<128x128xf32, #tpu.memory_space<vmem>>
        %dma_start3A_407 = arith.constant 0 : i32
        %dma_start3A_408 = tpu.memref_slice %arg8[%mul3A_348, %dma_start3A_407] : memref<40x128xi32, #tpu.memory_space<vmem>> -> memref<1x128xi32, #tpu.memory_space<vmem>>
        %dma_start3A_409 = tpu.memref_squeeze %dma_start3A_408 : memref<1x128xi32, #tpu.memory_space<vmem>> -> memref<128xi32, #tpu.memory_space<vmem>>
        %dma_start3A_410 = arith.constant 0 : i32
        %dma_start3A_411 = arith.constant 0 : i32
        %dma_start3A_412 = tpu.memref_slice %arg10[%dma_start3A_410, %dma_start3A_411] : memref<10016x128xf32, #tpu.memory_space<vmem_shared>> -> memref<10016x128xf32, #tpu.memory_space<vmem_shared>>
        tpu.enqueue_indirect_dma source(%dma_start3A_406 : memref<128x128xf32, #tpu.memory_space<vmem>>) target(%dma_start3A_412 : memref<10016x128xf32, #tpu.memory_space<vmem_shared>>) offsets(%dma_start3A_409 : memref<128xi32, #tpu.memory_space<vmem>>) semaphore(%run_scoped3A_403 : memref<!tpu.dma_semaphore, #tpu.memory_space<semaphore_mem>>) {add = true}
        %dma_wait3A_413 = arith.constant 0 : i32
        %dma_wait3A_414 = arith.constant 0 : i32
        %dma_wait3A_415 = tpu.memref_slice %arg9[%dma_wait3A_413, %dma_wait3A_414] : memref<256x128xf32, #tpu.memory_space<vmem>> -> memref<128x128xf32, #tpu.memory_space<vmem>>
        %dma_wait3A_416 = arith.constant 0 : i32
        %dma_wait3A_417 = tpu.memref_slice %arg8[%mul3A_348, %dma_wait3A_416] : memref<40x128xi32, #tpu.memory_space<vmem>> -> memref<1x128xi32, #tpu.memory_space<vmem>>
        %dma_wait3A_418 = tpu.memref_squeeze %dma_wait3A_417 : memref<1x128xi32, #tpu.memory_space<vmem>> -> memref<128xi32, #tpu.memory_space<vmem>>
        %dma_wait3A_419 = arith.constant 0 : i32
        %dma_wait3A_420 = arith.constant 0 : i32
        %dma_wait3A_421 = tpu.memref_slice %arg10[%dma_wait3A_419, %dma_wait3A_420] : memref<10016x128xf32, #tpu.memory_space<vmem_shared>> -> memref<10016x128xf32, #tpu.memory_space<vmem_shared>>
        tpu.wait_indirect_dma semaphore(%run_scoped3A_403 : memref<!tpu.dma_semaphore, #tpu.memory_space<semaphore_mem>>) src(%dma_wait3A_415 : memref<128x128xf32, #tpu.memory_space<vmem>>) dst(%dma_wait3A_421 : memref<10016x128xf32, #tpu.memory_space<vmem_shared>>)
        tpu.yield
      }) : () -> ()
      %lt3A = arith.constant 19 : i32
      %lt3A_349 = arith.cmpi slt, %scan3A_306, %lt3A : i32
      %convert_element_type3A_350 = arith.extui %lt3A_349 : i1 to i32
      %cond3A_351 = arith.constant 0 : i32
      %cond3A_352 = arith.cmpi ne, %convert_element_type3A_350, %cond3A_351 : i32
      scf.if %cond3A_352 {
        %mul3A_403 = arith.constant 2 : i32
        %mul3A_404 = arith.muli %mul3A_403, %scan3A_306 : i32
        %add3A_405 = arith.constant 2 : i32
        %add3A_406 = arith.addi %mul3A_404, %add3A_405 : i32
        %dma_start3A_407 = arith.constant 0 : i32
        %dma_start3A_408 = arith.constant 0 : i32
        %dma_start3A_409 = tpu.memref_slice %arg9[%dma_start3A_407, %dma_start3A_408] : memref<256x128xf32, #tpu.memory_space<vmem>> -> memref<32x128xf32, #tpu.memory_space<vmem>>
        %dma_start3A_410 = arith.constant 0 : i32
        %dma_start3A_411 = tpu.memref_slice %arg7[%add3A_406, %dma_start3A_410] : memref<40x128xi32, #tpu.memory_space<vmem>> -> memref<1x32xi32, #tpu.memory_space<vmem>>
        %dma_start3A_412 = tpu.memref_squeeze %dma_start3A_411 : memref<1x32xi32, #tpu.memory_space<vmem>> -> memref<32xi32, #tpu.memory_space<vmem>>
        %dma_start3A_413 = arith.constant 0 : i32
        %dma_start3A_414 = arith.constant 0 : i32
        %dma_start3A_415 = tpu.memref_slice %arg2[%dma_start3A_413, %dma_start3A_414] : memref<10000x128xf32, #tpu.memory_space<hbm>> -> memref<10000x128xf32, #tpu.memory_space<hbm>>
        tpu.enqueue_indirect_dma source(%dma_start3A_415 : memref<10000x128xf32, #tpu.memory_space<hbm>>) target(%dma_start3A_409 : memref<32x128xf32, #tpu.memory_space<vmem>>) offsets(%dma_start3A_412 : memref<32xi32, #tpu.memory_space<vmem>>) semaphore(%arg12 : memref<!tpu.dma_semaphore, #tpu.memory_space<semaphore_mem>>)
        %dma_start3A_416 = arith.constant 32 : i32
        %dma_start3A_417 = arith.constant 0 : i32
        %dma_start3A_418 = tpu.memref_slice %arg9[%dma_start3A_416, %dma_start3A_417] : memref<256x128xf32, #tpu.memory_space<vmem>> -> memref<32x128xf32, #tpu.memory_space<vmem>>
        %dma_start3A_419 = arith.constant 32 : i32
        %dma_start3A_420 = tpu.memref_slice %arg7[%add3A_406, %dma_start3A_419] : memref<40x128xi32, #tpu.memory_space<vmem>> -> memref<1x32xi32, #tpu.memory_space<vmem>>
        %dma_start3A_421 = tpu.memref_squeeze %dma_start3A_420 : memref<1x32xi32, #tpu.memory_space<vmem>> -> memref<32xi32, #tpu.memory_space<vmem>>
        %dma_start3A_422 = arith.constant 0 : i32
        %dma_start3A_423 = arith.constant 0 : i32
        %dma_start3A_424 = tpu.memref_slice %arg2[%dma_start3A_422, %dma_start3A_423] : memref<10000x128xf32, #tpu.memory_space<hbm>> -> memref<10000x128xf32, #tpu.memory_space<hbm>>
        tpu.enqueue_indirect_dma source(%dma_start3A_424 : memref<10000x128xf32, #tpu.memory_space<hbm>>) target(%dma_start3A_418 : memref<32x128xf32, #tpu.memory_space<vmem>>) offsets(%dma_start3A_421 : memref<32xi32, #tpu.memory_space<vmem>>) semaphore(%arg13 : memref<!tpu.dma_semaphore, #tpu.memory_space<semaphore_mem>>)
        %dma_start3A_425 = arith.constant 64 : i32
        %dma_start3A_426 = arith.constant 0 : i32
        %dma_start3A_427 = tpu.memref_slice %arg9[%dma_start3A_425, %dma_start3A_426] : memref<256x128xf32, #tpu.memory_space<vmem>> -> memref<32x128xf32, #tpu.memory_space<vmem>>
        %dma_start3A_428 = arith.constant 64 : i32
        %dma_start3A_429 = tpu.memref_slice %arg7[%add3A_406, %dma_start3A_428] : memref<40x128xi32, #tpu.memory_space<vmem>> -> memref<1x32xi32, #tpu.memory_space<vmem>>
        %dma_start3A_430 = tpu.memref_squeeze %dma_start3A_429 : memref<1x32xi32, #tpu.memory_space<vmem>> -> memref<32xi32, #tpu.memory_space<vmem>>
        %dma_start3A_431 = arith.constant 0 : i32
        %dma_start3A_432 = arith.constant 0 : i32
        %dma_start3A_433 = tpu.memref_slice %arg2[%dma_start3A_431, %dma_start3A_432] : memref<10000x128xf32, #tpu.memory_space<hbm>> -> memref<10000x128xf32, #tpu.memory_space<hbm>>
        tpu.enqueue_indirect_dma source(%dma_start3A_433 : memref<10000x128xf32, #tpu.memory_space<hbm>>) target(%dma_start3A_427 : memref<32x128xf32, #tpu.memory_space<vmem>>) offsets(%dma_start3A_430 : memref<32xi32, #tpu.memory_space<vmem>>) semaphore(%arg14 : memref<!tpu.dma_semaphore, #tpu.memory_space<semaphore_mem>>)
        %dma_start3A_434 = arith.constant 96 : i32
        %dma_start3A_435 = arith.constant 0 : i32
        %dma_start3A_436 = tpu.memref_slice %arg9[%dma_start3A_434, %dma_start3A_435] : memref<256x128xf32, #tpu.memory_space<vmem>> -> memref<32x128xf32, #tpu.memory_space<vmem>>
        %dma_start3A_437 = arith.constant 96 : i32
        %dma_start3A_438 = tpu.memref_slice %arg7[%add3A_406, %dma_start3A_437] : memref<40x128xi32, #tpu.memory_space<vmem>> -> memref<1x32xi32, #tpu.memory_space<vmem>>
        %dma_start3A_439 = tpu.memref_squeeze %dma_start3A_438 : memref<1x32xi32, #tpu.memory_space<vmem>> -> memref<32xi32, #tpu.memory_space<vmem>>
        %dma_start3A_440 = arith.constant 0 : i32
        %dma_start3A_441 = arith.constant 0 : i32
        %dma_start3A_442 = tpu.memref_slice %arg2[%dma_start3A_440, %dma_start3A_441] : memref<10000x128xf32, #tpu.memory_space<hbm>> -> memref<10000x128xf32, #tpu.memory_space<hbm>>
        tpu.enqueue_indirect_dma source(%dma_start3A_442 : memref<10000x128xf32, #tpu.memory_space<hbm>>) target(%dma_start3A_436 : memref<32x128xf32, #tpu.memory_space<vmem>>) offsets(%dma_start3A_439 : memref<32xi32, #tpu.memory_space<vmem>>) semaphore(%arg15 : memref<!tpu.dma_semaphore, #tpu.memory_space<semaphore_mem>>)
      } else {
      }
      %dma_wait3A_353 = arith.constant 0 : i32
      %dma_wait3A_354 = arith.constant 128 : i32
      %dma_wait3A_355 = arith.constant 0 : i32
      %dma_wait3A_356 = tpu.memref_slice %arg9[%dma_wait3A_354, %dma_wait3A_355] : memref<256x128xf32, #tpu.memory_space<vmem>> -> memref<32x128xf32, #tpu.memory_space<vmem>>
      %dma_wait3A_357 = arith.constant 0 : i32
      %dma_wait3A_358 = tpu.memref_slice %arg7[%dma_wait3A_353, %dma_wait3A_357] : memref<40x128xi32, #tpu.memory_space<vmem>> -> memref<1x32xi32, #tpu.memory_space<vmem>>
      %dma_wait3A_359 = tpu.memref_squeeze %dma_wait3A_358 : memref<1x32xi32, #tpu.memory_space<vmem>> -> memref<32xi32, #tpu.memory_space<vmem>>
      %dma_wait3A_360 = arith.constant 0 : i32
      %dma_wait3A_361 = arith.constant 0 : i32
      %dma_wait3A_362 = tpu.memref_slice %arg2[%dma_wait3A_360, %dma_wait3A_361] : memref<10000x128xf32, #tpu.memory_space<hbm>> -> memref<10000x128xf32, #tpu.memory_space<hbm>>
      tpu.wait_indirect_dma semaphore(%arg16 : memref<!tpu.dma_semaphore, #tpu.memory_space<semaphore_mem>>) src(%dma_wait3A_362 : memref<10000x128xf32, #tpu.memory_space<hbm>>) dst(%dma_wait3A_356 : memref<32x128xf32, #tpu.memory_space<vmem>>)
      %dma_wait3A_363 = arith.constant 0 : i32
      %dma_wait3A_364 = arith.constant 160 : i32
      %dma_wait3A_365 = arith.constant 0 : i32
      %dma_wait3A_366 = tpu.memref_slice %arg9[%dma_wait3A_364, %dma_wait3A_365] : memref<256x128xf32, #tpu.memory_space<vmem>> -> memref<32x128xf32, #tpu.memory_space<vmem>>
      %dma_wait3A_367 = arith.constant 0 : i32
      %dma_wait3A_368 = tpu.memref_slice %arg7[%dma_wait3A_363, %dma_wait3A_367] : memref<40x128xi32, #tpu.memory_space<vmem>> -> memref<1x32xi32, #tpu.memory_space<vmem>>
      %dma_wait3A_369 = tpu.memref_squeeze %dma_wait3A_368 : memref<1x32xi32, #tpu.memory_space<vmem>> -> memref<32xi32, #tpu.memory_space<vmem>>
      %dma_wait3A_370 = arith.constant 0 : i32
      %dma_wait3A_371 = arith.constant 0 : i32
      %dma_wait3A_372 = tpu.memref_slice %arg2[%dma_wait3A_370, %dma_wait3A_371] : memref<10000x128xf32, #tpu.memory_space<hbm>> -> memref<10000x128xf32, #tpu.memory_space<hbm>>
      tpu.wait_indirect_dma semaphore(%arg17 : memref<!tpu.dma_semaphore, #tpu.memory_space<semaphore_mem>>) src(%dma_wait3A_372 : memref<10000x128xf32, #tpu.memory_space<hbm>>) dst(%dma_wait3A_366 : memref<32x128xf32, #tpu.memory_space<vmem>>)
      %dma_wait3A_373 = arith.constant 0 : i32
      %dma_wait3A_374 = arith.constant 192 : i32
      %dma_wait3A_375 = arith.constant 0 : i32
      %dma_wait3A_376 = tpu.memref_slice %arg9[%dma_wait3A_374, %dma_wait3A_375] : memref<256x128xf32, #tpu.memory_space<vmem>> -> memref<32x128xf32, #tpu.memory_space<vmem>>
      %dma_wait3A_377 = arith.constant 0 : i32
      %dma_wait3A_378 = tpu.memref_slice %arg7[%dma_wait3A_373, %dma_wait3A_377] : memref<40x128xi32, #tpu.memory_space<vmem>> -> memref<1x32xi32, #tpu.memory_space<vmem>>
      %dma_wait3A_379 = tpu.memref_squeeze %dma_wait3A_378 : memref<1x32xi32, #tpu.memory_space<vmem>> -> memref<32xi32, #tpu.memory_space<vmem>>
      %dma_wait3A_380 = arith.constant 0 : i32
      %dma_wait3A_381 = arith.constant 0 : i32
      %dma_wait3A_382 = tpu.memref_slice %arg2[%dma_wait3A_380, %dma_wait3A_381] : memref<10000x128xf32, #tpu.memory_space<hbm>> -> memref<10000x128xf32, #tpu.memory_space<hbm>>
      tpu.wait_indirect_dma semaphore(%arg18 : memref<!tpu.dma_semaphore, #tpu.memory_space<semaphore_mem>>) src(%dma_wait3A_382 : memref<10000x128xf32, #tpu.memory_space<hbm>>) dst(%dma_wait3A_376 : memref<32x128xf32, #tpu.memory_space<vmem>>)
      %dma_wait3A_383 = arith.constant 0 : i32
      %dma_wait3A_384 = arith.constant 224 : i32
      %dma_wait3A_385 = arith.constant 0 : i32
      %dma_wait3A_386 = tpu.memref_slice %arg9[%dma_wait3A_384, %dma_wait3A_385] : memref<256x128xf32, #tpu.memory_space<vmem>> -> memref<32x128xf32, #tpu.memory_space<vmem>>
      %dma_wait3A_387 = arith.constant 0 : i32
      %dma_wait3A_388 = tpu.memref_slice %arg7[%dma_wait3A_383, %dma_wait3A_387] : memref<40x128xi32, #tpu.memory_space<vmem>> -> memref<1x32xi32, #tpu.memory_space<vmem>>
      %dma_wait3A_389 = tpu.memref_squeeze %dma_wait3A_388 : memref<1x32xi32, #tpu.memory_space<vmem>> -> memref<32xi32, #tpu.memory_space<vmem>>
      %dma_wait3A_390 = arith.constant 0 : i32
      %dma_wait3A_391 = arith.constant 0 : i32
      %dma_wait3A_392 = tpu.memref_slice %arg2[%dma_wait3A_390, %dma_wait3A_391] : memref<10000x128xf32, #tpu.memory_space<hbm>> -> memref<10000x128xf32, #tpu.memory_space<hbm>>
      tpu.wait_indirect_dma semaphore(%arg19 : memref<!tpu.dma_semaphore, #tpu.memory_space<semaphore_mem>>) src(%dma_wait3A_392 : memref<10000x128xf32, #tpu.memory_space<hbm>>) dst(%dma_wait3A_386 : memref<32x128xf32, #tpu.memory_space<vmem>>)
      %mul3A_393 = arith.constant 2 : i32
      %mul3A_394 = arith.muli %mul3A_393, %scan3A_306 : i32
      %add3A_395 = arith.constant 1 : i32
      %add3A_396 = arith.addi %mul3A_394, %add3A_395 : i32
      "tpu.region"() ({
        %run_scoped3A_403 = tpu.sem_alloc : memref<!tpu.dma_semaphore, #tpu.memory_space<semaphore_mem>>
        %dma_start3A_404 = arith.constant 128 : i32
        %dma_start3A_405 = arith.constant 0 : i32
        %dma_start3A_406 = tpu.memref_slice %arg9[%dma_start3A_404, %dma_start3A_405] : memref<256x128xf32, #tpu.memory_space<vmem>> -> memref<128x128xf32, #tpu.memory_space<vmem>>
        %dma_start3A_407 = arith.constant 0 : i32
        %dma_start3A_408 = tpu.memref_slice %arg8[%add3A_396, %dma_start3A_407] : memref<40x128xi32, #tpu.memory_space<vmem>> -> memref<1x128xi32, #tpu.memory_space<vmem>>
        %dma_start3A_409 = tpu.memref_squeeze %dma_start3A_408 : memref<1x128xi32, #tpu.memory_space<vmem>> -> memref<128xi32, #tpu.memory_space<vmem>>
        %dma_start3A_410 = arith.constant 0 : i32
        %dma_start3A_411 = arith.constant 0 : i32
        %dma_start3A_412 = tpu.memref_slice %arg10[%dma_start3A_410, %dma_start3A_411] : memref<10016x128xf32, #tpu.memory_space<vmem_shared>> -> memref<10016x128xf32, #tpu.memory_space<vmem_shared>>
        tpu.enqueue_indirect_dma source(%dma_start3A_406 : memref<128x128xf32, #tpu.memory_space<vmem>>) target(%dma_start3A_412 : memref<10016x128xf32, #tpu.memory_space<vmem_shared>>) offsets(%dma_start3A_409 : memref<128xi32, #tpu.memory_space<vmem>>) semaphore(%run_scoped3A_403 : memref<!tpu.dma_semaphore, #tpu.memory_space<semaphore_mem>>) {add = true}
        %dma_wait3A_413 = arith.constant 128 : i32
        %dma_wait3A_414 = arith.constant 0 : i32
        %dma_wait3A_415 = tpu.memref_slice %arg9[%dma_wait3A_413, %dma_wait3A_414] : memref<256x128xf32, #tpu.memory_space<vmem>> -> memref<128x128xf32, #tpu.memory_space<vmem>>
        %dma_wait3A_416 = arith.constant 0 : i32
        %dma_wait3A_417 = tpu.memref_slice %arg8[%add3A_396, %dma_wait3A_416] : memref<40x128xi32, #tpu.memory_space<vmem>> -> memref<1x128xi32, #tpu.memory_space<vmem>>
        %dma_wait3A_418 = tpu.memref_squeeze %dma_wait3A_417 : memref<1x128xi32, #tpu.memory_space<vmem>> -> memref<128xi32, #tpu.memory_space<vmem>>
        %dma_wait3A_419 = arith.constant 0 : i32
        %dma_wait3A_420 = arith.constant 0 : i32
        %dma_wait3A_421 = tpu.memref_slice %arg10[%dma_wait3A_419, %dma_wait3A_420] : memref<10016x128xf32, #tpu.memory_space<vmem_shared>> -> memref<10016x128xf32, #tpu.memory_space<vmem_shared>>
        tpu.wait_indirect_dma semaphore(%run_scoped3A_403 : memref<!tpu.dma_semaphore, #tpu.memory_space<semaphore_mem>>) src(%dma_wait3A_415 : memref<128x128xf32, #tpu.memory_space<vmem>>) dst(%dma_wait3A_421 : memref<10016x128xf32, #tpu.memory_space<vmem_shared>>)
        tpu.yield
      }) : () -> ()
      %lt3A_397 = arith.constant 19 : i32
      %lt3A_398 = arith.cmpi slt, %scan3A_306, %lt3A_397 : i32
      %convert_element_type3A_399 = arith.extui %lt3A_398 : i1 to i32
      %cond3A_400 = arith.constant 0 : i32
      %cond3A_401 = arith.cmpi ne, %convert_element_type3A_399, %cond3A_400 : i32
      scf.if %cond3A_401 {
        %mul3A_403 = arith.constant 2 : i32
        %mul3A_404 = arith.muli %mul3A_403, %scan3A_306 : i32
        %add3A_405 = arith.constant 3 : i32
        %add3A_406 = arith.addi %mul3A_404, %add3A_405 : i32
        %dma_start3A_407 = arith.constant 128 : i32
        %dma_start3A_408 = arith.constant 0 : i32
        %dma_start3A_409 = tpu.memref_slice %arg9[%dma_start3A_407, %dma_start3A_408] : memref<256x128xf32, #tpu.memory_space<vmem>> -> memref<32x128xf32, #tpu.memory_space<vmem>>
        %dma_start3A_410 = arith.constant 0 : i32
        %dma_start3A_411 = tpu.memref_slice %arg7[%add3A_406, %dma_start3A_410] : memref<40x128xi32, #tpu.memory_space<vmem>> -> memref<1x32xi32, #tpu.memory_space<vmem>>
        %dma_start3A_412 = tpu.memref_squeeze %dma_start3A_411 : memref<1x32xi32, #tpu.memory_space<vmem>> -> memref<32xi32, #tpu.memory_space<vmem>>
        %dma_start3A_413 = arith.constant 0 : i32
        %dma_start3A_414 = arith.constant 0 : i32
        %dma_start3A_415 = tpu.memref_slice %arg2[%dma_start3A_413, %dma_start3A_414] : memref<10000x128xf32, #tpu.memory_space<hbm>> -> memref<10000x128xf32, #tpu.memory_space<hbm>>
        tpu.enqueue_indirect_dma source(%dma_start3A_415 : memref<10000x128xf32, #tpu.memory_space<hbm>>) target(%dma_start3A_409 : memref<32x128xf32, #tpu.memory_space<vmem>>) offsets(%dma_start3A_412 : memref<32xi32, #tpu.memory_space<vmem>>) semaphore(%arg16 : memref<!tpu.dma_semaphore, #tpu.memory_space<semaphore_mem>>)
        %dma_start3A_416 = arith.constant 160 : i32
        %dma_start3A_417 = arith.constant 0 : i32
        %dma_start3A_418 = tpu.memref_slice %arg9[%dma_start3A_416, %dma_start3A_417] : memref<256x128xf32, #tpu.memory_space<vmem>> -> memref<32x128xf32, #tpu.memory_space<vmem>>
        %dma_start3A_419 = arith.constant 32 : i32
        %dma_start3A_420 = tpu.memref_slice %arg7[%add3A_406, %dma_start3A_419] : memref<40x128xi32, #tpu.memory_space<vmem>> -> memref<1x32xi32, #tpu.memory_space<vmem>>
        %dma_start3A_421 = tpu.memref_squeeze %dma_start3A_420 : memref<1x32xi32, #tpu.memory_space<vmem>> -> memref<32xi32, #tpu.memory_space<vmem>>
        %dma_start3A_422 = arith.constant 0 : i32
        %dma_start3A_423 = arith.constant 0 : i32
        %dma_start3A_424 = tpu.memref_slice %arg2[%dma_start3A_422, %dma_start3A_423] : memref<10000x128xf32, #tpu.memory_space<hbm>> -> memref<10000x128xf32, #tpu.memory_space<hbm>>
        tpu.enqueue_indirect_dma source(%dma_start3A_424 : memref<10000x128xf32, #tpu.memory_space<hbm>>) target(%dma_start3A_418 : memref<32x128xf32, #tpu.memory_space<vmem>>) offsets(%dma_start3A_421 : memref<32xi32, #tpu.memory_space<vmem>>) semaphore(%arg17 : memref<!tpu.dma_semaphore, #tpu.memory_space<semaphore_mem>>)
        %dma_start3A_425 = arith.constant 192 : i32
        %dma_start3A_426 = arith.constant 0 : i32
        %dma_start3A_427 = tpu.memref_slice %arg9[%dma_start3A_425, %dma_start3A_426] : memref<256x128xf32, #tpu.memory_space<vmem>> -> memref<32x128xf32, #tpu.memory_space<vmem>>
        %dma_start3A_428 = arith.constant 64 : i32
        %dma_start3A_429 = tpu.memref_slice %arg7[%add3A_406, %dma_start3A_428] : memref<40x128xi32, #tpu.memory_space<vmem>> -> memref<1x32xi32, #tpu.memory_space<vmem>>
        %dma_start3A_430 = tpu.memref_squeeze %dma_start3A_429 : memref<1x32xi32, #tpu.memory_space<vmem>> -> memref<32xi32, #tpu.memory_space<vmem>>
        %dma_start3A_431 = arith.constant 0 : i32
        %dma_start3A_432 = arith.constant 0 : i32
        %dma_start3A_433 = tpu.memref_slice %arg2[%dma_start3A_431, %dma_start3A_432] : memref<10000x128xf32, #tpu.memory_space<hbm>> -> memref<10000x128xf32, #tpu.memory_space<hbm>>
        tpu.enqueue_indirect_dma source(%dma_start3A_433 : memref<10000x128xf32, #tpu.memory_space<hbm>>) target(%dma_start3A_427 : memref<32x128xf32, #tpu.memory_space<vmem>>) offsets(%dma_start3A_430 : memref<32xi32, #tpu.memory_space<vmem>>) semaphore(%arg18 : memref<!tpu.dma_semaphore, #tpu.memory_space<semaphore_mem>>)
        %dma_start3A_434 = arith.constant 224 : i32
        %dma_start3A_435 = arith.constant 0 : i32
        %dma_start3A_436 = tpu.memref_slice %arg9[%dma_start3A_434, %dma_start3A_435] : memref<256x128xf32, #tpu.memory_space<vmem>> -> memref<32x128xf32, #tpu.memory_space<vmem>>
        %dma_start3A_437 = arith.constant 96 : i32
        %dma_start3A_438 = tpu.memref_slice %arg7[%add3A_406, %dma_start3A_437] : memref<40x128xi32, #tpu.memory_space<vmem>> -> memref<1x32xi32, #tpu.memory_space<vmem>>
        %dma_start3A_439 = tpu.memref_squeeze %dma_start3A_438 : memref<1x32xi32, #tpu.memory_space<vmem>> -> memref<32xi32, #tpu.memory_space<vmem>>
        %dma_start3A_440 = arith.constant 0 : i32
        %dma_start3A_441 = arith.constant 0 : i32
        %dma_start3A_442 = tpu.memref_slice %arg2[%dma_start3A_440, %dma_start3A_441] : memref<10000x128xf32, #tpu.memory_space<hbm>> -> memref<10000x128xf32, #tpu.memory_space<hbm>>
        tpu.enqueue_indirect_dma source(%dma_start3A_442 : memref<10000x128xf32, #tpu.memory_space<hbm>>) target(%dma_start3A_436 : memref<32x128xf32, #tpu.memory_space<vmem>>) offsets(%dma_start3A_439 : memref<32xi32, #tpu.memory_space<vmem>>) semaphore(%arg19 : memref<!tpu.dma_semaphore, #tpu.memory_space<semaphore_mem>>)
      } else {
      }
      %scan3A_402 = arith.constant 0 : i32
      scf.yield %scan3A_402 : i32
    }
    %scan3A_110 = arith.constant 20 : i32
    %mul3A_111 = arith.constant 80 : i32
    %mul3A_112 = arith.muli %add3A, %mul3A_111 : i32
    %add3A_113 = arith.constant 40 : i32
    %add3A_114 = arith.addi %mul3A_112, %add3A_113 : i32
    "tpu.region"() ({
      %run_scoped3A_306 = tpu.sem_alloc : memref<!tpu.dma_semaphore, #tpu.memory_space<semaphore_mem>>
      %dma_start3A_307 = arith.constant 0 : i32
      %dma_start3A_308 = tpu.memref_slice %arg3[%add3A_114, %dma_start3A_307] : memref<2560x128xi32, #tpu.memory_space<hbm>> -> memref<40x128xi32, #tpu.memory_space<hbm>>
      %dma_start3A_309 = arith.constant 0 : i32
      %dma_start3A_310 = tpu.memref_slice %arg3[%add3A_114, %dma_start3A_309] : memref<2560x128xi32, #tpu.memory_space<hbm>> -> memref<40x128xi32, #tpu.memory_space<hbm>>
      tpu.enqueue_dma source(%dma_start3A_310 : memref<40x128xi32, #tpu.memory_space<hbm>>) target(%arg7 : memref<40x128xi32, #tpu.memory_space<vmem>>) target_semaphore(%run_scoped3A_306 : memref<!tpu.dma_semaphore, #tpu.memory_space<semaphore_mem>>)
      %dma_wait3A = arith.constant 0 : i32
      %dma_wait3A_311 = tpu.memref_slice %arg3[%add3A_114, %dma_wait3A] : memref<2560x128xi32, #tpu.memory_space<hbm>> -> memref<40x128xi32, #tpu.memory_space<hbm>>
      %dma_wait3A_312 = arith.constant 0 : i32
      %dma_wait3A_313 = tpu.memref_slice %arg3[%add3A_114, %dma_wait3A_312] : memref<2560x128xi32, #tpu.memory_space<hbm>> -> memref<40x128xi32, #tpu.memory_space<hbm>>
      tpu.wait_dma2 semaphore(%run_scoped3A_306 : memref<!tpu.dma_semaphore, #tpu.memory_space<semaphore_mem>>) src(%dma_wait3A_313 : memref<40x128xi32, #tpu.memory_space<hbm>>) dst(%arg7 : memref<40x128xi32, #tpu.memory_space<vmem>>)
      tpu.yield
    }) : () -> ()
    "tpu.region"() ({
      %run_scoped3A_306 = tpu.sem_alloc : memref<!tpu.dma_semaphore, #tpu.memory_space<semaphore_mem>>
      %dma_start3A_307 = arith.constant 0 : i32
      %dma_start3A_308 = tpu.memref_slice %arg4[%add3A_114, %dma_start3A_307] : memref<2560x128xi32, #tpu.memory_space<hbm>> -> memref<40x128xi32, #tpu.memory_space<hbm>>
      %dma_start3A_309 = arith.constant 0 : i32
      %dma_start3A_310 = tpu.memref_slice %arg4[%add3A_114, %dma_start3A_309] : memref<2560x128xi32, #tpu.memory_space<hbm>> -> memref<40x128xi32, #tpu.memory_space<hbm>>
      tpu.enqueue_dma source(%dma_start3A_310 : memref<40x128xi32, #tpu.memory_space<hbm>>) target(%arg8 : memref<40x128xi32, #tpu.memory_space<vmem>>) target_semaphore(%run_scoped3A_306 : memref<!tpu.dma_semaphore, #tpu.memory_space<semaphore_mem>>)
      %dma_wait3A = arith.constant 0 : i32
      %dma_wait3A_311 = tpu.memref_slice %arg4[%add3A_114, %dma_wait3A] : memref<2560x128xi32, #tpu.memory_space<hbm>> -> memref<40x128xi32, #tpu.memory_space<hbm>>
      %dma_wait3A_312 = arith.constant 0 : i32
      %dma_wait3A_313 = tpu.memref_slice %arg4[%add3A_114, %dma_wait3A_312] : memref<2560x128xi32, #tpu.memory_space<hbm>> -> memref<40x128xi32, #tpu.memory_space<hbm>>
      tpu.wait_dma2 semaphore(%run_scoped3A_306 : memref<!tpu.dma_semaphore, #tpu.memory_space<semaphore_mem>>) src(%dma_wait3A_313 : memref<40x128xi32, #tpu.memory_space<hbm>>) dst(%arg8 : memref<40x128xi32, #tpu.memory_space<vmem>>)
      tpu.yield
    }) : () -> ()
    %dma_start3A_115 = arith.constant 0 : i32
    %dma_start3A_116 = arith.constant 0 : i32
    %dma_start3A_117 = arith.constant 0 : i32
    %dma_start3A_118 = tpu.memref_slice %arg9[%dma_start3A_116, %dma_start3A_117] : memref<256x128xf32, #tpu.memory_space<vmem>> -> memref<32x128xf32, #tpu.memory_space<vmem>>
    %dma_start3A_119 = arith.constant 0 : i32
    %dma_start3A_120 = tpu.memref_slice %arg7[%dma_start3A_115, %dma_start3A_119] : memref<40x128xi32, #tpu.memory_space<vmem>> -> memref<1x32xi32, #tpu.memory_space<vmem>>
    %dma_start3A_121 = tpu.memref_squeeze %dma_start3A_120 : memref<1x32xi32, #tpu.memory_space<vmem>> -> memref<32xi32, #tpu.memory_space<vmem>>
    %dma_start3A_122 = arith.constant 0 : i32
    %dma_start3A_123 = arith.constant 0 : i32
    %dma_start3A_124 = tpu.memref_slice %arg2[%dma_start3A_122, %dma_start3A_123] : memref<10000x128xf32, #tpu.memory_space<hbm>> -> memref<10000x128xf32, #tpu.memory_space<hbm>>
    tpu.enqueue_indirect_dma source(%dma_start3A_124 : memref<10000x128xf32, #tpu.memory_space<hbm>>) target(%dma_start3A_118 : memref<32x128xf32, #tpu.memory_space<vmem>>) offsets(%dma_start3A_121 : memref<32xi32, #tpu.memory_space<vmem>>) semaphore(%arg12 : memref<!tpu.dma_semaphore, #tpu.memory_space<semaphore_mem>>)
    %dma_start3A_125 = arith.constant 0 : i32
    %dma_start3A_126 = arith.constant 32 : i32
    %dma_start3A_127 = arith.constant 0 : i32
    %dma_start3A_128 = tpu.memref_slice %arg9[%dma_start3A_126, %dma_start3A_127] : memref<256x128xf32, #tpu.memory_space<vmem>> -> memref<32x128xf32, #tpu.memory_space<vmem>>
    %dma_start3A_129 = arith.constant 32 : i32
    %dma_start3A_130 = tpu.memref_slice %arg7[%dma_start3A_125, %dma_start3A_129] : memref<40x128xi32, #tpu.memory_space<vmem>> -> memref<1x32xi32, #tpu.memory_space<vmem>>
    %dma_start3A_131 = tpu.memref_squeeze %dma_start3A_130 : memref<1x32xi32, #tpu.memory_space<vmem>> -> memref<32xi32, #tpu.memory_space<vmem>>
    %dma_start3A_132 = arith.constant 0 : i32
    %dma_start3A_133 = arith.constant 0 : i32
    %dma_start3A_134 = tpu.memref_slice %arg2[%dma_start3A_132, %dma_start3A_133] : memref<10000x128xf32, #tpu.memory_space<hbm>> -> memref<10000x128xf32, #tpu.memory_space<hbm>>
    tpu.enqueue_indirect_dma source(%dma_start3A_134 : memref<10000x128xf32, #tpu.memory_space<hbm>>) target(%dma_start3A_128 : memref<32x128xf32, #tpu.memory_space<vmem>>) offsets(%dma_start3A_131 : memref<32xi32, #tpu.memory_space<vmem>>) semaphore(%arg13 : memref<!tpu.dma_semaphore, #tpu.memory_space<semaphore_mem>>)
    %dma_start3A_135 = arith.constant 0 : i32
    %dma_start3A_136 = arith.constant 64 : i32
    %dma_start3A_137 = arith.constant 0 : i32
    %dma_start3A_138 = tpu.memref_slice %arg9[%dma_start3A_136, %dma_start3A_137] : memref<256x128xf32, #tpu.memory_space<vmem>> -> memref<32x128xf32, #tpu.memory_space<vmem>>
    %dma_start3A_139 = arith.constant 64 : i32
    %dma_start3A_140 = tpu.memref_slice %arg7[%dma_start3A_135, %dma_start3A_139] : memref<40x128xi32, #tpu.memory_space<vmem>> -> memref<1x32xi32, #tpu.memory_space<vmem>>
    %dma_start3A_141 = tpu.memref_squeeze %dma_start3A_140 : memref<1x32xi32, #tpu.memory_space<vmem>> -> memref<32xi32, #tpu.memory_space<vmem>>
    %dma_start3A_142 = arith.constant 0 : i32
    %dma_start3A_143 = arith.constant 0 : i32
    %dma_start3A_144 = tpu.memref_slice %arg2[%dma_start3A_142, %dma_start3A_143] : memref<10000x128xf32, #tpu.memory_space<hbm>> -> memref<10000x128xf32, #tpu.memory_space<hbm>>
    tpu.enqueue_indirect_dma source(%dma_start3A_144 : memref<10000x128xf32, #tpu.memory_space<hbm>>) target(%dma_start3A_138 : memref<32x128xf32, #tpu.memory_space<vmem>>) offsets(%dma_start3A_141 : memref<32xi32, #tpu.memory_space<vmem>>) semaphore(%arg14 : memref<!tpu.dma_semaphore, #tpu.memory_space<semaphore_mem>>)
    %dma_start3A_145 = arith.constant 0 : i32
    %dma_start3A_146 = arith.constant 96 : i32
    %dma_start3A_147 = arith.constant 0 : i32
    %dma_start3A_148 = tpu.memref_slice %arg9[%dma_start3A_146, %dma_start3A_147] : memref<256x128xf32, #tpu.memory_space<vmem>> -> memref<32x128xf32, #tpu.memory_space<vmem>>
    %dma_start3A_149 = arith.constant 96 : i32
    %dma_start3A_150 = tpu.memref_slice %arg7[%dma_start3A_145, %dma_start3A_149] : memref<40x128xi32, #tpu.memory_space<vmem>> -> memref<1x32xi32, #tpu.memory_space<vmem>>
    %dma_start3A_151 = tpu.memref_squeeze %dma_start3A_150 : memref<1x32xi32, #tpu.memory_space<vmem>> -> memref<32xi32, #tpu.memory_space<vmem>>
    %dma_start3A_152 = arith.constant 0 : i32
    %dma_start3A_153 = arith.constant 0 : i32
    %dma_start3A_154 = tpu.memref_slice %arg2[%dma_start3A_152, %dma_start3A_153] : memref<10000x128xf32, #tpu.memory_space<hbm>> -> memref<10000x128xf32, #tpu.memory_space<hbm>>
    tpu.enqueue_indirect_dma source(%dma_start3A_154 : memref<10000x128xf32, #tpu.memory_space<hbm>>) target(%dma_start3A_148 : memref<32x128xf32, #tpu.memory_space<vmem>>) offsets(%dma_start3A_151 : memref<32xi32, #tpu.memory_space<vmem>>) semaphore(%arg15 : memref<!tpu.dma_semaphore, #tpu.memory_space<semaphore_mem>>)
    %dma_start3A_155 = arith.constant 1 : i32
    %dma_start3A_156 = arith.constant 128 : i32
    %dma_start3A_157 = arith.constant 0 : i32
    %dma_start3A_158 = tpu.memref_slice %arg9[%dma_start3A_156, %dma_start3A_157] : memref<256x128xf32, #tpu.memory_space<vmem>> -> memref<32x128xf32, #tpu.memory_space<vmem>>
    %dma_start3A_159 = arith.constant 0 : i32
    %dma_start3A_160 = tpu.memref_slice %arg7[%dma_start3A_155, %dma_start3A_159] : memref<40x128xi32, #tpu.memory_space<vmem>> -> memref<1x32xi32, #tpu.memory_space<vmem>>
    %dma_start3A_161 = tpu.memref_squeeze %dma_start3A_160 : memref<1x32xi32, #tpu.memory_space<vmem>> -> memref<32xi32, #tpu.memory_space<vmem>>
    %dma_start3A_162 = arith.constant 0 : i32
    %dma_start3A_163 = arith.constant 0 : i32
    %dma_start3A_164 = tpu.memref_slice %arg2[%dma_start3A_162, %dma_start3A_163] : memref<10000x128xf32, #tpu.memory_space<hbm>> -> memref<10000x128xf32, #tpu.memory_space<hbm>>
    tpu.enqueue_indirect_dma source(%dma_start3A_164 : memref<10000x128xf32, #tpu.memory_space<hbm>>) target(%dma_start3A_158 : memref<32x128xf32, #tpu.memory_space<vmem>>) offsets(%dma_start3A_161 : memref<32xi32, #tpu.memory_space<vmem>>) semaphore(%arg16 : memref<!tpu.dma_semaphore, #tpu.memory_space<semaphore_mem>>)
    %dma_start3A_165 = arith.constant 1 : i32
    %dma_start3A_166 = arith.constant 160 : i32
    %dma_start3A_167 = arith.constant 0 : i32
    %dma_start3A_168 = tpu.memref_slice %arg9[%dma_start3A_166, %dma_start3A_167] : memref<256x128xf32, #tpu.memory_space<vmem>> -> memref<32x128xf32, #tpu.memory_space<vmem>>
    %dma_start3A_169 = arith.constant 32 : i32
    %dma_start3A_170 = tpu.memref_slice %arg7[%dma_start3A_165, %dma_start3A_169] : memref<40x128xi32, #tpu.memory_space<vmem>> -> memref<1x32xi32, #tpu.memory_space<vmem>>
    %dma_start3A_171 = tpu.memref_squeeze %dma_start3A_170 : memref<1x32xi32, #tpu.memory_space<vmem>> -> memref<32xi32, #tpu.memory_space<vmem>>
    %dma_start3A_172 = arith.constant 0 : i32
    %dma_start3A_173 = arith.constant 0 : i32
    %dma_start3A_174 = tpu.memref_slice %arg2[%dma_start3A_172, %dma_start3A_173] : memref<10000x128xf32, #tpu.memory_space<hbm>> -> memref<10000x128xf32, #tpu.memory_space<hbm>>
    tpu.enqueue_indirect_dma source(%dma_start3A_174 : memref<10000x128xf32, #tpu.memory_space<hbm>>) target(%dma_start3A_168 : memref<32x128xf32, #tpu.memory_space<vmem>>) offsets(%dma_start3A_171 : memref<32xi32, #tpu.memory_space<vmem>>) semaphore(%arg17 : memref<!tpu.dma_semaphore, #tpu.memory_space<semaphore_mem>>)
    %dma_start3A_175 = arith.constant 1 : i32
    %dma_start3A_176 = arith.constant 192 : i32
    %dma_start3A_177 = arith.constant 0 : i32
    %dma_start3A_178 = tpu.memref_slice %arg9[%dma_start3A_176, %dma_start3A_177] : memref<256x128xf32, #tpu.memory_space<vmem>> -> memref<32x128xf32, #tpu.memory_space<vmem>>
    %dma_start3A_179 = arith.constant 64 : i32
    %dma_start3A_180 = tpu.memref_slice %arg7[%dma_start3A_175, %dma_start3A_179] : memref<40x128xi32, #tpu.memory_space<vmem>> -> memref<1x32xi32, #tpu.memory_space<vmem>>
    %dma_start3A_181 = tpu.memref_squeeze %dma_start3A_180 : memref<1x32xi32, #tpu.memory_space<vmem>> -> memref<32xi32, #tpu.memory_space<vmem>>
    %dma_start3A_182 = arith.constant 0 : i32
    %dma_start3A_183 = arith.constant 0 : i32
    %dma_start3A_184 = tpu.memref_slice %arg2[%dma_start3A_182, %dma_start3A_183] : memref<10000x128xf32, #tpu.memory_space<hbm>> -> memref<10000x128xf32, #tpu.memory_space<hbm>>
    tpu.enqueue_indirect_dma source(%dma_start3A_184 : memref<10000x128xf32, #tpu.memory_space<hbm>>) target(%dma_start3A_178 : memref<32x128xf32, #tpu.memory_space<vmem>>) offsets(%dma_start3A_181 : memref<32xi32, #tpu.memory_space<vmem>>) semaphore(%arg18 : memref<!tpu.dma_semaphore, #tpu.memory_space<semaphore_mem>>)
    %dma_start3A_185 = arith.constant 1 : i32
    %dma_start3A_186 = arith.constant 224 : i32
    %dma_start3A_187 = arith.constant 0 : i32
    %dma_start3A_188 = tpu.memref_slice %arg9[%dma_start3A_186, %dma_start3A_187] : memref<256x128xf32, #tpu.memory_space<vmem>> -> memref<32x128xf32, #tpu.memory_space<vmem>>
    %dma_start3A_189 = arith.constant 96 : i32
    %dma_start3A_190 = tpu.memref_slice %arg7[%dma_start3A_185, %dma_start3A_189] : memref<40x128xi32, #tpu.memory_space<vmem>> -> memref<1x32xi32, #tpu.memory_space<vmem>>
    %dma_start3A_191 = tpu.memref_squeeze %dma_start3A_190 : memref<1x32xi32, #tpu.memory_space<vmem>> -> memref<32xi32, #tpu.memory_space<vmem>>
    %dma_start3A_192 = arith.constant 0 : i32
    %dma_start3A_193 = arith.constant 0 : i32
    %dma_start3A_194 = tpu.memref_slice %arg2[%dma_start3A_192, %dma_start3A_193] : memref<10000x128xf32, #tpu.memory_space<hbm>> -> memref<10000x128xf32, #tpu.memory_space<hbm>>
    tpu.enqueue_indirect_dma source(%dma_start3A_194 : memref<10000x128xf32, #tpu.memory_space<hbm>>) target(%dma_start3A_188 : memref<32x128xf32, #tpu.memory_space<vmem>>) offsets(%dma_start3A_191 : memref<32xi32, #tpu.memory_space<vmem>>) semaphore(%arg19 : memref<!tpu.dma_semaphore, #tpu.memory_space<semaphore_mem>>)
    %scan3A_195 = arith.constant 0 : i32
    %scan3A_196 = arith.constant 0 : i32
    %scan3A_197 = arith.constant 20 : i32
    %scan3A_198 = arith.addi %scan3A_196, %scan3A_197 : i32
    %scan3A_199 = arith.constant 1 : i32
    %scan3A_200 = scf.for %scan3A_306 = %scan3A_196 to %scan3A_198 step %scan3A_199 iter_args(%scan3A_307 = %scan3A_195) -> (i32)  : i32 {
      %dma_wait3A = arith.constant 0 : i32
      %dma_wait3A_308 = arith.constant 0 : i32
      %dma_wait3A_309 = arith.constant 0 : i32
      %dma_wait3A_310 = tpu.memref_slice %arg9[%dma_wait3A_308, %dma_wait3A_309] : memref<256x128xf32, #tpu.memory_space<vmem>> -> memref<32x128xf32, #tpu.memory_space<vmem>>
      %dma_wait3A_311 = arith.constant 0 : i32
      %dma_wait3A_312 = tpu.memref_slice %arg7[%dma_wait3A, %dma_wait3A_311] : memref<40x128xi32, #tpu.memory_space<vmem>> -> memref<1x32xi32, #tpu.memory_space<vmem>>
      %dma_wait3A_313 = tpu.memref_squeeze %dma_wait3A_312 : memref<1x32xi32, #tpu.memory_space<vmem>> -> memref<32xi32, #tpu.memory_space<vmem>>
      %dma_wait3A_314 = arith.constant 0 : i32
      %dma_wait3A_315 = arith.constant 0 : i32
      %dma_wait3A_316 = tpu.memref_slice %arg2[%dma_wait3A_314, %dma_wait3A_315] : memref<10000x128xf32, #tpu.memory_space<hbm>> -> memref<10000x128xf32, #tpu.memory_space<hbm>>
      tpu.wait_indirect_dma semaphore(%arg12 : memref<!tpu.dma_semaphore, #tpu.memory_space<semaphore_mem>>) src(%dma_wait3A_316 : memref<10000x128xf32, #tpu.memory_space<hbm>>) dst(%dma_wait3A_310 : memref<32x128xf32, #tpu.memory_space<vmem>>)
      %dma_wait3A_317 = arith.constant 0 : i32
      %dma_wait3A_318 = arith.constant 32 : i32
      %dma_wait3A_319 = arith.constant 0 : i32
      %dma_wait3A_320 = tpu.memref_slice %arg9[%dma_wait3A_318, %dma_wait3A_319] : memref<256x128xf32, #tpu.memory_space<vmem>> -> memref<32x128xf32, #tpu.memory_space<vmem>>
      %dma_wait3A_321 = arith.constant 0 : i32
      %dma_wait3A_322 = tpu.memref_slice %arg7[%dma_wait3A_317, %dma_wait3A_321] : memref<40x128xi32, #tpu.memory_space<vmem>> -> memref<1x32xi32, #tpu.memory_space<vmem>>
      %dma_wait3A_323 = tpu.memref_squeeze %dma_wait3A_322 : memref<1x32xi32, #tpu.memory_space<vmem>> -> memref<32xi32, #tpu.memory_space<vmem>>
      %dma_wait3A_324 = arith.constant 0 : i32
      %dma_wait3A_325 = arith.constant 0 : i32
      %dma_wait3A_326 = tpu.memref_slice %arg2[%dma_wait3A_324, %dma_wait3A_325] : memref<10000x128xf32, #tpu.memory_space<hbm>> -> memref<10000x128xf32, #tpu.memory_space<hbm>>
      tpu.wait_indirect_dma semaphore(%arg13 : memref<!tpu.dma_semaphore, #tpu.memory_space<semaphore_mem>>) src(%dma_wait3A_326 : memref<10000x128xf32, #tpu.memory_space<hbm>>) dst(%dma_wait3A_320 : memref<32x128xf32, #tpu.memory_space<vmem>>)
      %dma_wait3A_327 = arith.constant 0 : i32
      %dma_wait3A_328 = arith.constant 64 : i32
      %dma_wait3A_329 = arith.constant 0 : i32
      %dma_wait3A_330 = tpu.memref_slice %arg9[%dma_wait3A_328, %dma_wait3A_329] : memref<256x128xf32, #tpu.memory_space<vmem>> -> memref<32x128xf32, #tpu.memory_space<vmem>>
      %dma_wait3A_331 = arith.constant 0 : i32
      %dma_wait3A_332 = tpu.memref_slice %arg7[%dma_wait3A_327, %dma_wait3A_331] : memref<40x128xi32, #tpu.memory_space<vmem>> -> memref<1x32xi32, #tpu.memory_space<vmem>>
      %dma_wait3A_333 = tpu.memref_squeeze %dma_wait3A_332 : memref<1x32xi32, #tpu.memory_space<vmem>> -> memref<32xi32, #tpu.memory_space<vmem>>
      %dma_wait3A_334 = arith.constant 0 : i32
      %dma_wait3A_335 = arith.constant 0 : i32
      %dma_wait3A_336 = tpu.memref_slice %arg2[%dma_wait3A_334, %dma_wait3A_335] : memref<10000x128xf32, #tpu.memory_space<hbm>> -> memref<10000x128xf32, #tpu.memory_space<hbm>>
      tpu.wait_indirect_dma semaphore(%arg14 : memref<!tpu.dma_semaphore, #tpu.memory_space<semaphore_mem>>) src(%dma_wait3A_336 : memref<10000x128xf32, #tpu.memory_space<hbm>>) dst(%dma_wait3A_330 : memref<32x128xf32, #tpu.memory_space<vmem>>)
      %dma_wait3A_337 = arith.constant 0 : i32
      %dma_wait3A_338 = arith.constant 96 : i32
      %dma_wait3A_339 = arith.constant 0 : i32
      %dma_wait3A_340 = tpu.memref_slice %arg9[%dma_wait3A_338, %dma_wait3A_339] : memref<256x128xf32, #tpu.memory_space<vmem>> -> memref<32x128xf32, #tpu.memory_space<vmem>>
      %dma_wait3A_341 = arith.constant 0 : i32
      %dma_wait3A_342 = tpu.memref_slice %arg7[%dma_wait3A_337, %dma_wait3A_341] : memref<40x128xi32, #tpu.memory_space<vmem>> -> memref<1x32xi32, #tpu.memory_space<vmem>>
      %dma_wait3A_343 = tpu.memref_squeeze %dma_wait3A_342 : memref<1x32xi32, #tpu.memory_space<vmem>> -> memref<32xi32, #tpu.memory_space<vmem>>
      %dma_wait3A_344 = arith.constant 0 : i32
      %dma_wait3A_345 = arith.constant 0 : i32
      %dma_wait3A_346 = tpu.memref_slice %arg2[%dma_wait3A_344, %dma_wait3A_345] : memref<10000x128xf32, #tpu.memory_space<hbm>> -> memref<10000x128xf32, #tpu.memory_space<hbm>>
      tpu.wait_indirect_dma semaphore(%arg15 : memref<!tpu.dma_semaphore, #tpu.memory_space<semaphore_mem>>) src(%dma_wait3A_346 : memref<10000x128xf32, #tpu.memory_space<hbm>>) dst(%dma_wait3A_340 : memref<32x128xf32, #tpu.memory_space<vmem>>)
      %mul3A_347 = arith.constant 2 : i32
      %mul3A_348 = arith.muli %mul3A_347, %scan3A_306 : i32
      "tpu.region"() ({
        %run_scoped3A_403 = tpu.sem_alloc : memref<!tpu.dma_semaphore, #tpu.memory_space<semaphore_mem>>
        %dma_start3A_404 = arith.constant 0 : i32
        %dma_start3A_405 = arith.constant 0 : i32
        %dma_start3A_406 = tpu.memref_slice %arg9[%dma_start3A_404, %dma_start3A_405] : memref<256x128xf32, #tpu.memory_space<vmem>> -> memref<128x128xf32, #tpu.memory_space<vmem>>
        %dma_start3A_407 = arith.constant 0 : i32
        %dma_start3A_408 = tpu.memref_slice %arg8[%mul3A_348, %dma_start3A_407] : memref<40x128xi32, #tpu.memory_space<vmem>> -> memref<1x128xi32, #tpu.memory_space<vmem>>
        %dma_start3A_409 = tpu.memref_squeeze %dma_start3A_408 : memref<1x128xi32, #tpu.memory_space<vmem>> -> memref<128xi32, #tpu.memory_space<vmem>>
        %dma_start3A_410 = arith.constant 0 : i32
        %dma_start3A_411 = arith.constant 0 : i32
        %dma_start3A_412 = tpu.memref_slice %arg10[%dma_start3A_410, %dma_start3A_411] : memref<10016x128xf32, #tpu.memory_space<vmem_shared>> -> memref<10016x128xf32, #tpu.memory_space<vmem_shared>>
        tpu.enqueue_indirect_dma source(%dma_start3A_406 : memref<128x128xf32, #tpu.memory_space<vmem>>) target(%dma_start3A_412 : memref<10016x128xf32, #tpu.memory_space<vmem_shared>>) offsets(%dma_start3A_409 : memref<128xi32, #tpu.memory_space<vmem>>) semaphore(%run_scoped3A_403 : memref<!tpu.dma_semaphore, #tpu.memory_space<semaphore_mem>>) {add = true}
        %dma_wait3A_413 = arith.constant 0 : i32
        %dma_wait3A_414 = arith.constant 0 : i32
        %dma_wait3A_415 = tpu.memref_slice %arg9[%dma_wait3A_413, %dma_wait3A_414] : memref<256x128xf32, #tpu.memory_space<vmem>> -> memref<128x128xf32, #tpu.memory_space<vmem>>
        %dma_wait3A_416 = arith.constant 0 : i32
        %dma_wait3A_417 = tpu.memref_slice %arg8[%mul3A_348, %dma_wait3A_416] : memref<40x128xi32, #tpu.memory_space<vmem>> -> memref<1x128xi32, #tpu.memory_space<vmem>>
        %dma_wait3A_418 = tpu.memref_squeeze %dma_wait3A_417 : memref<1x128xi32, #tpu.memory_space<vmem>> -> memref<128xi32, #tpu.memory_space<vmem>>
        %dma_wait3A_419 = arith.constant 0 : i32
        %dma_wait3A_420 = arith.constant 0 : i32
        %dma_wait3A_421 = tpu.memref_slice %arg10[%dma_wait3A_419, %dma_wait3A_420] : memref<10016x128xf32, #tpu.memory_space<vmem_shared>> -> memref<10016x128xf32, #tpu.memory_space<vmem_shared>>
        tpu.wait_indirect_dma semaphore(%run_scoped3A_403 : memref<!tpu.dma_semaphore, #tpu.memory_space<semaphore_mem>>) src(%dma_wait3A_415 : memref<128x128xf32, #tpu.memory_space<vmem>>) dst(%dma_wait3A_421 : memref<10016x128xf32, #tpu.memory_space<vmem_shared>>)
        tpu.yield
      }) : () -> ()
      %lt3A = arith.constant 19 : i32
      %lt3A_349 = arith.cmpi slt, %scan3A_306, %lt3A : i32
      %convert_element_type3A_350 = arith.extui %lt3A_349 : i1 to i32
      %cond3A_351 = arith.constant 0 : i32
      %cond3A_352 = arith.cmpi ne, %convert_element_type3A_350, %cond3A_351 : i32
      scf.if %cond3A_352 {
        %mul3A_403 = arith.constant 2 : i32
        %mul3A_404 = arith.muli %mul3A_403, %scan3A_306 : i32
        %add3A_405 = arith.constant 2 : i32
        %add3A_406 = arith.addi %mul3A_404, %add3A_405 : i32
        %dma_start3A_407 = arith.constant 0 : i32
        %dma_start3A_408 = arith.constant 0 : i32
        %dma_start3A_409 = tpu.memref_slice %arg9[%dma_start3A_407, %dma_start3A_408] : memref<256x128xf32, #tpu.memory_space<vmem>> -> memref<32x128xf32, #tpu.memory_space<vmem>>
        %dma_start3A_410 = arith.constant 0 : i32
        %dma_start3A_411 = tpu.memref_slice %arg7[%add3A_406, %dma_start3A_410] : memref<40x128xi32, #tpu.memory_space<vmem>> -> memref<1x32xi32, #tpu.memory_space<vmem>>
        %dma_start3A_412 = tpu.memref_squeeze %dma_start3A_411 : memref<1x32xi32, #tpu.memory_space<vmem>> -> memref<32xi32, #tpu.memory_space<vmem>>
        %dma_start3A_413 = arith.constant 0 : i32
        %dma_start3A_414 = arith.constant 0 : i32
        %dma_start3A_415 = tpu.memref_slice %arg2[%dma_start3A_413, %dma_start3A_414] : memref<10000x128xf32, #tpu.memory_space<hbm>> -> memref<10000x128xf32, #tpu.memory_space<hbm>>
        tpu.enqueue_indirect_dma source(%dma_start3A_415 : memref<10000x128xf32, #tpu.memory_space<hbm>>) target(%dma_start3A_409 : memref<32x128xf32, #tpu.memory_space<vmem>>) offsets(%dma_start3A_412 : memref<32xi32, #tpu.memory_space<vmem>>) semaphore(%arg12 : memref<!tpu.dma_semaphore, #tpu.memory_space<semaphore_mem>>)
        %dma_start3A_416 = arith.constant 32 : i32
        %dma_start3A_417 = arith.constant 0 : i32
        %dma_start3A_418 = tpu.memref_slice %arg9[%dma_start3A_416, %dma_start3A_417] : memref<256x128xf32, #tpu.memory_space<vmem>> -> memref<32x128xf32, #tpu.memory_space<vmem>>
        %dma_start3A_419 = arith.constant 32 : i32
        %dma_start3A_420 = tpu.memref_slice %arg7[%add3A_406, %dma_start3A_419] : memref<40x128xi32, #tpu.memory_space<vmem>> -> memref<1x32xi32, #tpu.memory_space<vmem>>
        %dma_start3A_421 = tpu.memref_squeeze %dma_start3A_420 : memref<1x32xi32, #tpu.memory_space<vmem>> -> memref<32xi32, #tpu.memory_space<vmem>>
        %dma_start3A_422 = arith.constant 0 : i32
        %dma_start3A_423 = arith.constant 0 : i32
        %dma_start3A_424 = tpu.memref_slice %arg2[%dma_start3A_422, %dma_start3A_423] : memref<10000x128xf32, #tpu.memory_space<hbm>> -> memref<10000x128xf32, #tpu.memory_space<hbm>>
        tpu.enqueue_indirect_dma source(%dma_start3A_424 : memref<10000x128xf32, #tpu.memory_space<hbm>>) target(%dma_start3A_418 : memref<32x128xf32, #tpu.memory_space<vmem>>) offsets(%dma_start3A_421 : memref<32xi32, #tpu.memory_space<vmem>>) semaphore(%arg13 : memref<!tpu.dma_semaphore, #tpu.memory_space<semaphore_mem>>)
        %dma_start3A_425 = arith.constant 64 : i32
        %dma_start3A_426 = arith.constant 0 : i32
        %dma_start3A_427 = tpu.memref_slice %arg9[%dma_start3A_425, %dma_start3A_426] : memref<256x128xf32, #tpu.memory_space<vmem>> -> memref<32x128xf32, #tpu.memory_space<vmem>>
        %dma_start3A_428 = arith.constant 64 : i32
        %dma_start3A_429 = tpu.memref_slice %arg7[%add3A_406, %dma_start3A_428] : memref<40x128xi32, #tpu.memory_space<vmem>> -> memref<1x32xi32, #tpu.memory_space<vmem>>
        %dma_start3A_430 = tpu.memref_squeeze %dma_start3A_429 : memref<1x32xi32, #tpu.memory_space<vmem>> -> memref<32xi32, #tpu.memory_space<vmem>>
        %dma_start3A_431 = arith.constant 0 : i32
        %dma_start3A_432 = arith.constant 0 : i32
        %dma_start3A_433 = tpu.memref_slice %arg2[%dma_start3A_431, %dma_start3A_432] : memref<10000x128xf32, #tpu.memory_space<hbm>> -> memref<10000x128xf32, #tpu.memory_space<hbm>>
        tpu.enqueue_indirect_dma source(%dma_start3A_433 : memref<10000x128xf32, #tpu.memory_space<hbm>>) target(%dma_start3A_427 : memref<32x128xf32, #tpu.memory_space<vmem>>) offsets(%dma_start3A_430 : memref<32xi32, #tpu.memory_space<vmem>>) semaphore(%arg14 : memref<!tpu.dma_semaphore, #tpu.memory_space<semaphore_mem>>)
        %dma_start3A_434 = arith.constant 96 : i32
        %dma_start3A_435 = arith.constant 0 : i32
        %dma_start3A_436 = tpu.memref_slice %arg9[%dma_start3A_434, %dma_start3A_435] : memref<256x128xf32, #tpu.memory_space<vmem>> -> memref<32x128xf32, #tpu.memory_space<vmem>>
        %dma_start3A_437 = arith.constant 96 : i32
        %dma_start3A_438 = tpu.memref_slice %arg7[%add3A_406, %dma_start3A_437] : memref<40x128xi32, #tpu.memory_space<vmem>> -> memref<1x32xi32, #tpu.memory_space<vmem>>
        %dma_start3A_439 = tpu.memref_squeeze %dma_start3A_438 : memref<1x32xi32, #tpu.memory_space<vmem>> -> memref<32xi32, #tpu.memory_space<vmem>>
        %dma_start3A_440 = arith.constant 0 : i32
        %dma_start3A_441 = arith.constant 0 : i32
        %dma_start3A_442 = tpu.memref_slice %arg2[%dma_start3A_440, %dma_start3A_441] : memref<10000x128xf32, #tpu.memory_space<hbm>> -> memref<10000x128xf32, #tpu.memory_space<hbm>>
        tpu.enqueue_indirect_dma source(%dma_start3A_442 : memref<10000x128xf32, #tpu.memory_space<hbm>>) target(%dma_start3A_436 : memref<32x128xf32, #tpu.memory_space<vmem>>) offsets(%dma_start3A_439 : memref<32xi32, #tpu.memory_space<vmem>>) semaphore(%arg15 : memref<!tpu.dma_semaphore, #tpu.memory_space<semaphore_mem>>)
      } else {
      }
      %dma_wait3A_353 = arith.constant 0 : i32
      %dma_wait3A_354 = arith.constant 128 : i32
      %dma_wait3A_355 = arith.constant 0 : i32
      %dma_wait3A_356 = tpu.memref_slice %arg9[%dma_wait3A_354, %dma_wait3A_355] : memref<256x128xf32, #tpu.memory_space<vmem>> -> memref<32x128xf32, #tpu.memory_space<vmem>>
      %dma_wait3A_357 = arith.constant 0 : i32
      %dma_wait3A_358 = tpu.memref_slice %arg7[%dma_wait3A_353, %dma_wait3A_357] : memref<40x128xi32, #tpu.memory_space<vmem>> -> memref<1x32xi32, #tpu.memory_space<vmem>>
      %dma_wait3A_359 = tpu.memref_squeeze %dma_wait3A_358 : memref<1x32xi32, #tpu.memory_space<vmem>> -> memref<32xi32, #tpu.memory_space<vmem>>
      %dma_wait3A_360 = arith.constant 0 : i32
      %dma_wait3A_361 = arith.constant 0 : i32
      %dma_wait3A_362 = tpu.memref_slice %arg2[%dma_wait3A_360, %dma_wait3A_361] : memref<10000x128xf32, #tpu.memory_space<hbm>> -> memref<10000x128xf32, #tpu.memory_space<hbm>>
      tpu.wait_indirect_dma semaphore(%arg16 : memref<!tpu.dma_semaphore, #tpu.memory_space<semaphore_mem>>) src(%dma_wait3A_362 : memref<10000x128xf32, #tpu.memory_space<hbm>>) dst(%dma_wait3A_356 : memref<32x128xf32, #tpu.memory_space<vmem>>)
      %dma_wait3A_363 = arith.constant 0 : i32
      %dma_wait3A_364 = arith.constant 160 : i32
      %dma_wait3A_365 = arith.constant 0 : i32
      %dma_wait3A_366 = tpu.memref_slice %arg9[%dma_wait3A_364, %dma_wait3A_365] : memref<256x128xf32, #tpu.memory_space<vmem>> -> memref<32x128xf32, #tpu.memory_space<vmem>>
      %dma_wait3A_367 = arith.constant 0 : i32
      %dma_wait3A_368 = tpu.memref_slice %arg7[%dma_wait3A_363, %dma_wait3A_367] : memref<40x128xi32, #tpu.memory_space<vmem>> -> memref<1x32xi32, #tpu.memory_space<vmem>>
      %dma_wait3A_369 = tpu.memref_squeeze %dma_wait3A_368 : memref<1x32xi32, #tpu.memory_space<vmem>> -> memref<32xi32, #tpu.memory_space<vmem>>
      %dma_wait3A_370 = arith.constant 0 : i32
      %dma_wait3A_371 = arith.constant 0 : i32
      %dma_wait3A_372 = tpu.memref_slice %arg2[%dma_wait3A_370, %dma_wait3A_371] : memref<10000x128xf32, #tpu.memory_space<hbm>> -> memref<10000x128xf32, #tpu.memory_space<hbm>>
      tpu.wait_indirect_dma semaphore(%arg17 : memref<!tpu.dma_semaphore, #tpu.memory_space<semaphore_mem>>) src(%dma_wait3A_372 : memref<10000x128xf32, #tpu.memory_space<hbm>>) dst(%dma_wait3A_366 : memref<32x128xf32, #tpu.memory_space<vmem>>)
      %dma_wait3A_373 = arith.constant 0 : i32
      %dma_wait3A_374 = arith.constant 192 : i32
      %dma_wait3A_375 = arith.constant 0 : i32
      %dma_wait3A_376 = tpu.memref_slice %arg9[%dma_wait3A_374, %dma_wait3A_375] : memref<256x128xf32, #tpu.memory_space<vmem>> -> memref<32x128xf32, #tpu.memory_space<vmem>>
      %dma_wait3A_377 = arith.constant 0 : i32
      %dma_wait3A_378 = tpu.memref_slice %arg7[%dma_wait3A_373, %dma_wait3A_377] : memref<40x128xi32, #tpu.memory_space<vmem>> -> memref<1x32xi32, #tpu.memory_space<vmem>>
      %dma_wait3A_379 = tpu.memref_squeeze %dma_wait3A_378 : memref<1x32xi32, #tpu.memory_space<vmem>> -> memref<32xi32, #tpu.memory_space<vmem>>
      %dma_wait3A_380 = arith.constant 0 : i32
      %dma_wait3A_381 = arith.constant 0 : i32
      %dma_wait3A_382 = tpu.memref_slice %arg2[%dma_wait3A_380, %dma_wait3A_381] : memref<10000x128xf32, #tpu.memory_space<hbm>> -> memref<10000x128xf32, #tpu.memory_space<hbm>>
      tpu.wait_indirect_dma semaphore(%arg18 : memref<!tpu.dma_semaphore, #tpu.memory_space<semaphore_mem>>) src(%dma_wait3A_382 : memref<10000x128xf32, #tpu.memory_space<hbm>>) dst(%dma_wait3A_376 : memref<32x128xf32, #tpu.memory_space<vmem>>)
      %dma_wait3A_383 = arith.constant 0 : i32
      %dma_wait3A_384 = arith.constant 224 : i32
      %dma_wait3A_385 = arith.constant 0 : i32
      %dma_wait3A_386 = tpu.memref_slice %arg9[%dma_wait3A_384, %dma_wait3A_385] : memref<256x128xf32, #tpu.memory_space<vmem>> -> memref<32x128xf32, #tpu.memory_space<vmem>>
      %dma_wait3A_387 = arith.constant 0 : i32
      %dma_wait3A_388 = tpu.memref_slice %arg7[%dma_wait3A_383, %dma_wait3A_387] : memref<40x128xi32, #tpu.memory_space<vmem>> -> memref<1x32xi32, #tpu.memory_space<vmem>>
      %dma_wait3A_389 = tpu.memref_squeeze %dma_wait3A_388 : memref<1x32xi32, #tpu.memory_space<vmem>> -> memref<32xi32, #tpu.memory_space<vmem>>
      %dma_wait3A_390 = arith.constant 0 : i32
      %dma_wait3A_391 = arith.constant 0 : i32
      %dma_wait3A_392 = tpu.memref_slice %arg2[%dma_wait3A_390, %dma_wait3A_391] : memref<10000x128xf32, #tpu.memory_space<hbm>> -> memref<10000x128xf32, #tpu.memory_space<hbm>>
      tpu.wait_indirect_dma semaphore(%arg19 : memref<!tpu.dma_semaphore, #tpu.memory_space<semaphore_mem>>) src(%dma_wait3A_392 : memref<10000x128xf32, #tpu.memory_space<hbm>>) dst(%dma_wait3A_386 : memref<32x128xf32, #tpu.memory_space<vmem>>)
      %mul3A_393 = arith.constant 2 : i32
      %mul3A_394 = arith.muli %mul3A_393, %scan3A_306 : i32
      %add3A_395 = arith.constant 1 : i32
      %add3A_396 = arith.addi %mul3A_394, %add3A_395 : i32
      "tpu.region"() ({
        %run_scoped3A_403 = tpu.sem_alloc : memref<!tpu.dma_semaphore, #tpu.memory_space<semaphore_mem>>
        %dma_start3A_404 = arith.constant 128 : i32
        %dma_start3A_405 = arith.constant 0 : i32
        %dma_start3A_406 = tpu.memref_slice %arg9[%dma_start3A_404, %dma_start3A_405] : memref<256x128xf32, #tpu.memory_space<vmem>> -> memref<128x128xf32, #tpu.memory_space<vmem>>
        %dma_start3A_407 = arith.constant 0 : i32
        %dma_start3A_408 = tpu.memref_slice %arg8[%add3A_396, %dma_start3A_407] : memref<40x128xi32, #tpu.memory_space<vmem>> -> memref<1x128xi32, #tpu.memory_space<vmem>>
        %dma_start3A_409 = tpu.memref_squeeze %dma_start3A_408 : memref<1x128xi32, #tpu.memory_space<vmem>> -> memref<128xi32, #tpu.memory_space<vmem>>
        %dma_start3A_410 = arith.constant 0 : i32
        %dma_start3A_411 = arith.constant 0 : i32
        %dma_start3A_412 = tpu.memref_slice %arg10[%dma_start3A_410, %dma_start3A_411] : memref<10016x128xf32, #tpu.memory_space<vmem_shared>> -> memref<10016x128xf32, #tpu.memory_space<vmem_shared>>
        tpu.enqueue_indirect_dma source(%dma_start3A_406 : memref<128x128xf32, #tpu.memory_space<vmem>>) target(%dma_start3A_412 : memref<10016x128xf32, #tpu.memory_space<vmem_shared>>) offsets(%dma_start3A_409 : memref<128xi32, #tpu.memory_space<vmem>>) semaphore(%run_scoped3A_403 : memref<!tpu.dma_semaphore, #tpu.memory_space<semaphore_mem>>) {add = true}
        %dma_wait3A_413 = arith.constant 128 : i32
        %dma_wait3A_414 = arith.constant 0 : i32
        %dma_wait3A_415 = tpu.memref_slice %arg9[%dma_wait3A_413, %dma_wait3A_414] : memref<256x128xf32, #tpu.memory_space<vmem>> -> memref<128x128xf32, #tpu.memory_space<vmem>>
        %dma_wait3A_416 = arith.constant 0 : i32
        %dma_wait3A_417 = tpu.memref_slice %arg8[%add3A_396, %dma_wait3A_416] : memref<40x128xi32, #tpu.memory_space<vmem>> -> memref<1x128xi32, #tpu.memory_space<vmem>>
        %dma_wait3A_418 = tpu.memref_squeeze %dma_wait3A_417 : memref<1x128xi32, #tpu.memory_space<vmem>> -> memref<128xi32, #tpu.memory_space<vmem>>
        %dma_wait3A_419 = arith.constant 0 : i32
        %dma_wait3A_420 = arith.constant 0 : i32
        %dma_wait3A_421 = tpu.memref_slice %arg10[%dma_wait3A_419, %dma_wait3A_420] : memref<10016x128xf32, #tpu.memory_space<vmem_shared>> -> memref<10016x128xf32, #tpu.memory_space<vmem_shared>>
        tpu.wait_indirect_dma semaphore(%run_scoped3A_403 : memref<!tpu.dma_semaphore, #tpu.memory_space<semaphore_mem>>) src(%dma_wait3A_415 : memref<128x128xf32, #tpu.memory_space<vmem>>) dst(%dma_wait3A_421 : memref<10016x128xf32, #tpu.memory_space<vmem_shared>>)
        tpu.yield
      }) : () -> ()
      %lt3A_397 = arith.constant 19 : i32
      %lt3A_398 = arith.cmpi slt, %scan3A_306, %lt3A_397 : i32
      %convert_element_type3A_399 = arith.extui %lt3A_398 : i1 to i32
      %cond3A_400 = arith.constant 0 : i32
      %cond3A_401 = arith.cmpi ne, %convert_element_type3A_399, %cond3A_400 : i32
      scf.if %cond3A_401 {
        %mul3A_403 = arith.constant 2 : i32
        %mul3A_404 = arith.muli %mul3A_403, %scan3A_306 : i32
        %add3A_405 = arith.constant 3 : i32
        %add3A_406 = arith.addi %mul3A_404, %add3A_405 : i32
        %dma_start3A_407 = arith.constant 128 : i32
        %dma_start3A_408 = arith.constant 0 : i32
        %dma_start3A_409 = tpu.memref_slice %arg9[%dma_start3A_407, %dma_start3A_408] : memref<256x128xf32, #tpu.memory_space<vmem>> -> memref<32x128xf32, #tpu.memory_space<vmem>>
        %dma_start3A_410 = arith.constant 0 : i32
        %dma_start3A_411 = tpu.memref_slice %arg7[%add3A_406, %dma_start3A_410] : memref<40x128xi32, #tpu.memory_space<vmem>> -> memref<1x32xi32, #tpu.memory_space<vmem>>
        %dma_start3A_412 = tpu.memref_squeeze %dma_start3A_411 : memref<1x32xi32, #tpu.memory_space<vmem>> -> memref<32xi32, #tpu.memory_space<vmem>>
        %dma_start3A_413 = arith.constant 0 : i32
        %dma_start3A_414 = arith.constant 0 : i32
        %dma_start3A_415 = tpu.memref_slice %arg2[%dma_start3A_413, %dma_start3A_414] : memref<10000x128xf32, #tpu.memory_space<hbm>> -> memref<10000x128xf32, #tpu.memory_space<hbm>>
        tpu.enqueue_indirect_dma source(%dma_start3A_415 : memref<10000x128xf32, #tpu.memory_space<hbm>>) target(%dma_start3A_409 : memref<32x128xf32, #tpu.memory_space<vmem>>) offsets(%dma_start3A_412 : memref<32xi32, #tpu.memory_space<vmem>>) semaphore(%arg16 : memref<!tpu.dma_semaphore, #tpu.memory_space<semaphore_mem>>)
        %dma_start3A_416 = arith.constant 160 : i32
        %dma_start3A_417 = arith.constant 0 : i32
        %dma_start3A_418 = tpu.memref_slice %arg9[%dma_start3A_416, %dma_start3A_417] : memref<256x128xf32, #tpu.memory_space<vmem>> -> memref<32x128xf32, #tpu.memory_space<vmem>>
        %dma_start3A_419 = arith.constant 32 : i32
        %dma_start3A_420 = tpu.memref_slice %arg7[%add3A_406, %dma_start3A_419] : memref<40x128xi32, #tpu.memory_space<vmem>> -> memref<1x32xi32, #tpu.memory_space<vmem>>
        %dma_start3A_421 = tpu.memref_squeeze %dma_start3A_420 : memref<1x32xi32, #tpu.memory_space<vmem>> -> memref<32xi32, #tpu.memory_space<vmem>>
        %dma_start3A_422 = arith.constant 0 : i32
        %dma_start3A_423 = arith.constant 0 : i32
        %dma_start3A_424 = tpu.memref_slice %arg2[%dma_start3A_422, %dma_start3A_423] : memref<10000x128xf32, #tpu.memory_space<hbm>> -> memref<10000x128xf32, #tpu.memory_space<hbm>>
        tpu.enqueue_indirect_dma source(%dma_start3A_424 : memref<10000x128xf32, #tpu.memory_space<hbm>>) target(%dma_start3A_418 : memref<32x128xf32, #tpu.memory_space<vmem>>) offsets(%dma_start3A_421 : memref<32xi32, #tpu.memory_space<vmem>>) semaphore(%arg17 : memref<!tpu.dma_semaphore, #tpu.memory_space<semaphore_mem>>)
        %dma_start3A_425 = arith.constant 192 : i32
        %dma_start3A_426 = arith.constant 0 : i32
        %dma_start3A_427 = tpu.memref_slice %arg9[%dma_start3A_425, %dma_start3A_426] : memref<256x128xf32, #tpu.memory_space<vmem>> -> memref<32x128xf32, #tpu.memory_space<vmem>>
        %dma_start3A_428 = arith.constant 64 : i32
        %dma_start3A_429 = tpu.memref_slice %arg7[%add3A_406, %dma_start3A_428] : memref<40x128xi32, #tpu.memory_space<vmem>> -> memref<1x32xi32, #tpu.memory_space<vmem>>
        %dma_start3A_430 = tpu.memref_squeeze %dma_start3A_429 : memref<1x32xi32, #tpu.memory_space<vmem>> -> memref<32xi32, #tpu.memory_space<vmem>>
        %dma_start3A_431 = arith.constant 0 : i32
        %dma_start3A_432 = arith.constant 0 : i32
        %dma_start3A_433 = tpu.memref_slice %arg2[%dma_start3A_431, %dma_start3A_432] : memref<10000x128xf32, #tpu.memory_space<hbm>> -> memref<10000x128xf32, #tpu.memory_space<hbm>>
        tpu.enqueue_indirect_dma source(%dma_start3A_433 : memref<10000x128xf32, #tpu.memory_space<hbm>>) target(%dma_start3A_427 : memref<32x128xf32, #tpu.memory_space<vmem>>) offsets(%dma_start3A_430 : memref<32xi32, #tpu.memory_space<vmem>>) semaphore(%arg18 : memref<!tpu.dma_semaphore, #tpu.memory_space<semaphore_mem>>)
        %dma_start3A_434 = arith.constant 224 : i32
        %dma_start3A_435 = arith.constant 0 : i32
        %dma_start3A_436 = tpu.memref_slice %arg9[%dma_start3A_434, %dma_start3A_435] : memref<256x128xf32, #tpu.memory_space<vmem>> -> memref<32x128xf32, #tpu.memory_space<vmem>>
        %dma_start3A_437 = arith.constant 96 : i32
        %dma_start3A_438 = tpu.memref_slice %arg7[%add3A_406, %dma_start3A_437] : memref<40x128xi32, #tpu.memory_space<vmem>> -> memref<1x32xi32, #tpu.memory_space<vmem>>
        %dma_start3A_439 = tpu.memref_squeeze %dma_start3A_438 : memref<1x32xi32, #tpu.memory_space<vmem>> -> memref<32xi32, #tpu.memory_space<vmem>>
        %dma_start3A_440 = arith.constant 0 : i32
        %dma_start3A_441 = arith.constant 0 : i32
        %dma_start3A_442 = tpu.memref_slice %arg2[%dma_start3A_440, %dma_start3A_441] : memref<10000x128xf32, #tpu.memory_space<hbm>> -> memref<10000x128xf32, #tpu.memory_space<hbm>>
        tpu.enqueue_indirect_dma source(%dma_start3A_442 : memref<10000x128xf32, #tpu.memory_space<hbm>>) target(%dma_start3A_436 : memref<32x128xf32, #tpu.memory_space<vmem>>) offsets(%dma_start3A_439 : memref<32xi32, #tpu.memory_space<vmem>>) semaphore(%arg19 : memref<!tpu.dma_semaphore, #tpu.memory_space<semaphore_mem>>)
      } else {
      }
      %scan3A_402 = arith.constant 0 : i32
      scf.yield %scan3A_402 : i32
    }
    %scan3A_201 = arith.constant 20 : i32
    %barrier3A_202 = arith.constant 0 : index
    tpu.barrier barrier_id(%barrier3A_202)
    "tpu.region"() ({
      %run_scoped3A_306 = tpu.sem_alloc : memref<!tpu.dma_semaphore, #tpu.memory_space<semaphore_mem>>
      %dma_start3A_307 = arith.constant 0 : i32
      %dma_start3A_308 = tpu.memref_slice %arg5[%arg0, %mul3A_2, %dma_start3A_307] : memref<2x10000x128xf32, #tpu.memory_space<hbm>> -> memref<1x624x128xf32, #tpu.memory_space<hbm>>
      %dma_start3A_309 = tpu.memref_squeeze %dma_start3A_308 : memref<1x624x128xf32, #tpu.memory_space<hbm>> -> memref<624x128xf32, #tpu.memory_space<hbm>>
      %dma_start3A_310 = arith.constant 0 : i32
      %dma_start3A_311 = tpu.memref_slice %arg10[%mul3A_2, %dma_start3A_310] : memref<10016x128xf32, #tpu.memory_space<vmem_shared>> -> memref<624x128xf32, #tpu.memory_space<vmem_shared>>
      tpu.enqueue_dma source(%dma_start3A_311 : memref<624x128xf32, #tpu.memory_space<vmem_shared>>) target(%dma_start3A_309 : memref<624x128xf32, #tpu.memory_space<hbm>>) target_semaphore(%run_scoped3A_306 : memref<!tpu.dma_semaphore, #tpu.memory_space<semaphore_mem>>)
      %dma_wait3A = arith.constant 0 : i32
      %dma_wait3A_312 = tpu.memref_slice %arg5[%arg0, %mul3A_2, %dma_wait3A] : memref<2x10000x128xf32, #tpu.memory_space<hbm>> -> memref<1x624x128xf32, #tpu.memory_space<hbm>>
      %dma_wait3A_313 = tpu.memref_squeeze %dma_wait3A_312 : memref<1x624x128xf32, #tpu.memory_space<hbm>> -> memref<624x128xf32, #tpu.memory_space<hbm>>
      %dma_wait3A_314 = arith.constant 0 : i32
      %dma_wait3A_315 = tpu.memref_slice %arg10[%mul3A_2, %dma_wait3A_314] : memref<10016x128xf32, #tpu.memory_space<vmem_shared>> -> memref<624x128xf32, #tpu.memory_space<vmem_shared>>
      tpu.wait_dma2 semaphore(%run_scoped3A_306 : memref<!tpu.dma_semaphore, #tpu.memory_space<semaphore_mem>>) src(%dma_wait3A_315 : memref<624x128xf32, #tpu.memory_space<vmem_shared>>) dst(%dma_wait3A_313 : memref<624x128xf32, #tpu.memory_space<hbm>>)
      tpu.yield
    }) : () -> ()
    %eq3A_203 = arith.constant 0 : i32
    %eq3A_204 = arith.cmpi eq, %arg1, %eq3A_203 : i32
    %convert_element_type3A_205 = arith.extui %eq3A_204 : i1 to i32
    %cond3A_206 = arith.constant 0 : i32
    %cond3A_207 = arith.cmpi ne, %convert_element_type3A_205, %cond3A_206 : i32
    scf.if %cond3A_207 {
      "tpu.region"() ({
        %run_scoped3A_306 = tpu.sem_alloc : memref<!tpu.dma_semaphore, #tpu.memory_space<semaphore_mem>>
        %dma_start3A_307 = arith.constant 9984 : i32
        %dma_start3A_308 = arith.constant 0 : i32
        %dma_start3A_309 = tpu.memref_slice %arg5[%arg0, %dma_start3A_307, %dma_start3A_308] : memref<2x10000x128xf32, #tpu.memory_space<hbm>> -> memref<1x16x128xf32, #tpu.memory_space<hbm>>
        %dma_start3A_310 = tpu.memref_squeeze %dma_start3A_309 : memref<1x16x128xf32, #tpu.memory_space<hbm>> -> memref<16x128xf32, #tpu.memory_space<hbm>>
        %dma_start3A_311 = arith.constant 9984 : i32
        %dma_start3A_312 = arith.constant 0 : i32
        %dma_start3A_313 = tpu.memref_slice %arg10[%dma_start3A_311, %dma_start3A_312] : memref<10016x128xf32, #tpu.memory_space<vmem_shared>> -> memref<16x128xf32, #tpu.memory_space<vmem_shared>>
        tpu.enqueue_dma source(%dma_start3A_313 : memref<16x128xf32, #tpu.memory_space<vmem_shared>>) target(%dma_start3A_310 : memref<16x128xf32, #tpu.memory_space<hbm>>) target_semaphore(%run_scoped3A_306 : memref<!tpu.dma_semaphore, #tpu.memory_space<semaphore_mem>>)
        %dma_wait3A = arith.constant 9984 : i32
        %dma_wait3A_314 = arith.constant 0 : i32
        %dma_wait3A_315 = tpu.memref_slice %arg5[%arg0, %dma_wait3A, %dma_wait3A_314] : memref<2x10000x128xf32, #tpu.memory_space<hbm>> -> memref<1x16x128xf32, #tpu.memory_space<hbm>>
        %dma_wait3A_316 = tpu.memref_squeeze %dma_wait3A_315 : memref<1x16x128xf32, #tpu.memory_space<hbm>> -> memref<16x128xf32, #tpu.memory_space<hbm>>
        %dma_wait3A_317 = arith.constant 9984 : i32
        %dma_wait3A_318 = arith.constant 0 : i32
        %dma_wait3A_319 = tpu.memref_slice %arg10[%dma_wait3A_317, %dma_wait3A_318] : memref<10016x128xf32, #tpu.memory_space<vmem_shared>> -> memref<16x128xf32, #tpu.memory_space<vmem_shared>>
        tpu.wait_dma2 semaphore(%run_scoped3A_306 : memref<!tpu.dma_semaphore, #tpu.memory_space<semaphore_mem>>) src(%dma_wait3A_319 : memref<16x128xf32, #tpu.memory_space<vmem_shared>>) dst(%dma_wait3A_316 : memref<16x128xf32, #tpu.memory_space<hbm>>)
        tpu.yield
      }) : () -> ()
    } else {
    }
    %barrier3A_208 = arith.constant 0 : index
    tpu.barrier barrier_id(%barrier3A_208)
    %scan3A_209 = arith.constant 0 : i32
    %scan3A_210 = arith.constant 0 : i32
    %scan3A_211 = arith.constant 128 : i32
    %scan3A_212 = arith.addi %scan3A_210, %scan3A_211 : i32
    %scan3A_213 = arith.constant 1 : i32
    %scan3A_214 = scf.for %scan3A_306 = %scan3A_210 to %scan3A_212 step %scan3A_213 iter_args(%scan3A_307 = %scan3A_209) -> (i32)  : i32 {
      %broadcast_in_dim3A_308 = arith.constant 0.000000e+00 : f32
      %broadcast_in_dim3A_309 = vector.broadcast %broadcast_in_dim3A_308 : f32 to vector<16xf32>
      %swap3A_310 = arith.index_cast %scan3A_306 : i32 to index
      %swap3A_311 = arith.constant 0 : index
      %swap3A_312 = tpu.vector_load %arg9[%swap3A_310, %swap3A_311] {strides = array<i32>} : memref<256x128xf32, #tpu.memory_space<vmem>>, vector<16xf32>,
      tpu.vector_store %arg9[%swap3A_310, %swap3A_311], %broadcast_in_dim3A_309 {strides = array<i32>} : memref<256x128xf32, #tpu.memory_space<vmem>>, vector<16xf32>,
      %broadcast_in_dim3A_313 = arith.constant 0.000000e+00 : f32
      %broadcast_in_dim3A_314 = vector.broadcast %broadcast_in_dim3A_313 : f32 to vector<16xf32>
      %swap3A_315 = arith.index_cast %scan3A_306 : i32 to index
      %swap3A_316 = arith.constant 16 : index
      %swap3A_317 = tpu.vector_load %arg9[%swap3A_315, %swap3A_316] {strides = array<i32>} : memref<256x128xf32, #tpu.memory_space<vmem>>, vector<16xf32>,
      tpu.vector_store %arg9[%swap3A_315, %swap3A_316], %broadcast_in_dim3A_314 {strides = array<i32>} : memref<256x128xf32, #tpu.memory_space<vmem>>, vector<16xf32>,
      %broadcast_in_dim3A_318 = arith.constant 0.000000e+00 : f32
      %broadcast_in_dim3A_319 = vector.broadcast %broadcast_in_dim3A_318 : f32 to vector<16xf32>
      %swap3A_320 = arith.index_cast %scan3A_306 : i32 to index
      %swap3A_321 = arith.constant 32 : index
      %swap3A_322 = tpu.vector_load %arg9[%swap3A_320, %swap3A_321] {strides = array<i32>} : memref<256x128xf32, #tpu.memory_space<vmem>>, vector<16xf32>,
      tpu.vector_store %arg9[%swap3A_320, %swap3A_321], %broadcast_in_dim3A_319 {strides = array<i32>} : memref<256x128xf32, #tpu.memory_space<vmem>>, vector<16xf32>,
      %broadcast_in_dim3A_323 = arith.constant 0.000000e+00 : f32
      %broadcast_in_dim3A_324 = vector.broadcast %broadcast_in_dim3A_323 : f32 to vector<16xf32>
      %swap3A_325 = arith.index_cast %scan3A_306 : i32 to index
      %swap3A_326 = arith.constant 48 : index
      %swap3A_327 = tpu.vector_load %arg9[%swap3A_325, %swap3A_326] {strides = array<i32>} : memref<256x128xf32, #tpu.memory_space<vmem>>, vector<16xf32>,
      tpu.vector_store %arg9[%swap3A_325, %swap3A_326], %broadcast_in_dim3A_324 {strides = array<i32>} : memref<256x128xf32, #tpu.memory_space<vmem>>, vector<16xf32>,
      %broadcast_in_dim3A_328 = arith.constant 0.000000e+00 : f32
      %broadcast_in_dim3A_329 = vector.broadcast %broadcast_in_dim3A_328 : f32 to vector<16xf32>
      %swap3A_330 = arith.index_cast %scan3A_306 : i32 to index
      %swap3A_331 = arith.constant 64 : index
      %swap3A_332 = tpu.vector_load %arg9[%swap3A_330, %swap3A_331] {strides = array<i32>} : memref<256x128xf32, #tpu.memory_space<vmem>>, vector<16xf32>,
      tpu.vector_store %arg9[%swap3A_330, %swap3A_331], %broadcast_in_dim3A_329 {strides = array<i32>} : memref<256x128xf32, #tpu.memory_space<vmem>>, vector<16xf32>,
      %broadcast_in_dim3A_333 = arith.constant 0.000000e+00 : f32
      %broadcast_in_dim3A_334 = vector.broadcast %broadcast_in_dim3A_333 : f32 to vector<16xf32>
      %swap3A_335 = arith.index_cast %scan3A_306 : i32 to index
      %swap3A_336 = arith.constant 80 : index
      %swap3A_337 = tpu.vector_load %arg9[%swap3A_335, %swap3A_336] {strides = array<i32>} : memref<256x128xf32, #tpu.memory_space<vmem>>, vector<16xf32>,
      tpu.vector_store %arg9[%swap3A_335, %swap3A_336], %broadcast_in_dim3A_334 {strides = array<i32>} : memref<256x128xf32, #tpu.memory_space<vmem>>, vector<16xf32>,
      %broadcast_in_dim3A_338 = arith.constant 0.000000e+00 : f32
      %broadcast_in_dim3A_339 = vector.broadcast %broadcast_in_dim3A_338 : f32 to vector<16xf32>
      %swap3A_340 = arith.index_cast %scan3A_306 : i32 to index
      %swap3A_341 = arith.constant 96 : index
      %swap3A_342 = tpu.vector_load %arg9[%swap3A_340, %swap3A_341] {strides = array<i32>} : memref<256x128xf32, #tpu.memory_space<vmem>>, vector<16xf32>,
      tpu.vector_store %arg9[%swap3A_340, %swap3A_341], %broadcast_in_dim3A_339 {strides = array<i32>} : memref<256x128xf32, #tpu.memory_space<vmem>>, vector<16xf32>,
      %broadcast_in_dim3A_343 = arith.constant 0.000000e+00 : f32
      %broadcast_in_dim3A_344 = vector.broadcast %broadcast_in_dim3A_343 : f32 to vector<16xf32>
      %swap3A_345 = arith.index_cast %scan3A_306 : i32 to index
      %swap3A_346 = arith.constant 112 : index
      %swap3A_347 = tpu.vector_load %arg9[%swap3A_345, %swap3A_346] {strides = array<i32>} : memref<256x128xf32, #tpu.memory_space<vmem>>, vector<16xf32>,
      tpu.vector_store %arg9[%swap3A_345, %swap3A_346], %broadcast_in_dim3A_344 {strides = array<i32>} : memref<256x128xf32, #tpu.memory_space<vmem>>, vector<16xf32>,
      %scan3A_348 = arith.constant 0 : i32
      scf.yield %scan3A_348 : i32
    }
    %scan3A_215 = arith.constant 128 : i32
    %eq3A_216 = arith.constant 0 : i32
    %eq3A_217 = arith.cmpi eq, %arg1, %eq3A_216 : i32
    %convert_element_type3A_218 = arith.extui %eq3A_217 : i1 to i32
    %cond3A_219 = arith.constant 0 : i32
    %cond3A_220 = arith.cmpi ne, %convert_element_type3A_218, %cond3A_219 : i32
    scf.if %cond3A_220 {
      "tpu.region"() ({
        %run_scoped3A_306 = tpu.sem_alloc : memref<!tpu.dma_semaphore, #tpu.memory_space<semaphore_mem>>
        %dma_start3A_307 = arith.constant 0 : i32
        %dma_start3A_308 = arith.constant 0 : i32
        %dma_start3A_309 = tpu.memref_slice %arg9[%dma_start3A_307, %dma_start3A_308] : memref<256x128xf32, #tpu.memory_space<vmem>> -> memref<128x128xf32, #tpu.memory_space<vmem>>
        %dma_start3A_310 = arith.constant 0 : i32
        %dma_start3A_311 = arith.constant 0 : i32
        %dma_start3A_312 = tpu.memref_slice %arg9[%dma_start3A_310, %dma_start3A_311] : memref<256x128xf32, #tpu.memory_space<vmem>> -> memref<128x128xf32, #tpu.memory_space<vmem>>
        tpu.enqueue_dma source(%dma_start3A_312 : memref<128x128xf32, #tpu.memory_space<vmem>>) target(%arg11 : memref<128x128xf32, #tpu.memory_space<vmem_shared>>) target_semaphore(%run_scoped3A_306 : memref<!tpu.dma_semaphore, #tpu.memory_space<semaphore_mem>>)
        %dma_wait3A = arith.constant 0 : i32
        %dma_wait3A_313 = arith.constant 0 : i32
        %dma_wait3A_314 = tpu.memref_slice %arg9[%dma_wait3A, %dma_wait3A_313] : memref<256x128xf32, #tpu.memory_space<vmem>> -> memref<128x128xf32, #tpu.memory_space<vmem>>
        %dma_wait3A_315 = arith.constant 0 : i32
        %dma_wait3A_316 = arith.constant 0 : i32
        %dma_wait3A_317 = tpu.memref_slice %arg9[%dma_wait3A_315, %dma_wait3A_316] : memref<256x128xf32, #tpu.memory_space<vmem>> -> memref<128x128xf32, #tpu.memory_space<vmem>>
        tpu.wait_dma2 semaphore(%run_scoped3A_306 : memref<!tpu.dma_semaphore, #tpu.memory_space<semaphore_mem>>) src(%dma_wait3A_317 : memref<128x128xf32, #tpu.memory_space<vmem>>) dst(%arg11 : memref<128x128xf32, #tpu.memory_space<vmem_shared>>)
        tpu.yield
      }) : () -> ()
    } else {
    }
    %barrier3A_221 = arith.constant 0 : index
    tpu.barrier barrier_id(%barrier3A_221)
    %broadcast_in_dim3A = arith.constant 1.000000e+00 : f32
    %broadcast_in_dim3A_222 = vector.broadcast %broadcast_in_dim3A : f32 to vector<16xf32>
    %mul3A_223 = arith.constant 80 : i32
    %mul3A_224 = arith.muli %add3A, %mul3A_223 : i32
    %add3A_225 = arith.constant 0 : i32
    %add3A_226 = arith.addi %mul3A_224, %add3A_225 : i32
    "tpu.region"() ({
      %run_scoped3A_306 = tpu.sem_alloc : memref<!tpu.dma_semaphore, #tpu.memory_space<semaphore_mem>>
      %dma_start3A_307 = arith.constant 0 : i32
      %dma_start3A_308 = tpu.memref_slice %arg4[%add3A_226, %dma_start3A_307] : memref<2560x128xi32, #tpu.memory_space<hbm>> -> memref<40x128xi32, #tpu.memory_space<hbm>>
      %dma_start3A_309 = arith.constant 0 : i32
      %dma_start3A_310 = tpu.memref_slice %arg4[%add3A_226, %dma_start3A_309] : memref<2560x128xi32, #tpu.memory_space<hbm>> -> memref<40x128xi32, #tpu.memory_space<hbm>>
      tpu.enqueue_dma source(%dma_start3A_310 : memref<40x128xi32, #tpu.memory_space<hbm>>) target(%arg8 : memref<40x128xi32, #tpu.memory_space<vmem>>) target_semaphore(%run_scoped3A_306 : memref<!tpu.dma_semaphore, #tpu.memory_space<semaphore_mem>>)
      %dma_wait3A = arith.constant 0 : i32
      %dma_wait3A_311 = tpu.memref_slice %arg4[%add3A_226, %dma_wait3A] : memref<2560x128xi32, #tpu.memory_space<hbm>> -> memref<40x128xi32, #tpu.memory_space<hbm>>
      %dma_wait3A_312 = arith.constant 0 : i32
      %dma_wait3A_313 = tpu.memref_slice %arg4[%add3A_226, %dma_wait3A_312] : memref<2560x128xi32, #tpu.memory_space<hbm>> -> memref<40x128xi32, #tpu.memory_space<hbm>>
      tpu.wait_dma2 semaphore(%run_scoped3A_306 : memref<!tpu.dma_semaphore, #tpu.memory_space<semaphore_mem>>) src(%dma_wait3A_313 : memref<40x128xi32, #tpu.memory_space<hbm>>) dst(%arg8 : memref<40x128xi32, #tpu.memory_space<vmem>>)
      tpu.yield
    }) : () -> ()
    %scan3A_227 = arith.constant 0 : i32
    %scan3A_228 = arith.constant 0 : i32
    %scan3A_229 = arith.constant 40 : i32
    %scan3A_230 = arith.addi %scan3A_228, %scan3A_229 : i32
    %scan3A_231 = arith.constant 1 : i32
    %scan3A_232 = scf.for %scan3A_306 = %scan3A_228 to %scan3A_230 step %scan3A_231 iter_args(%scan3A_307 = %scan3A_227) -> (i32)  : i32 {
      %get3A = arith.index_cast %scan3A_306 : i32 to index
      %get3A_308 = arith.constant 0 : index
      %get3A_309 = tpu.vector_load %arg8[%get3A, %get3A_308] {strides = array<i32>} : memref<40x128xi32, #tpu.memory_space<vmem>>, vector<16xi32>,
      %shift_right_logical3A = arith.constant 7 : i32
      %shift_right_logical3A_310 = vector.broadcast %shift_right_logical3A : i32 to vector<16xi32>
      %shift_right_logical3A_311 = arith.shrui %get3A_309, %shift_right_logical3A_310 : vector<16xi32>
      %and3A = arith.constant 127 : i32
      %and3A_312 = vector.broadcast %and3A : i32 to vector<16xi32>
      %and3A_313 = arith.andi %get3A_309, %and3A_312 : vector<16xi32>
      tpu.vector_store_idx %arg9[%shift_right_logical3A_311, %and3A_313], %broadcast_in_dim3A_222 {add = true} : memref<256x128xf32, #tpu.memory_space<vmem>>[vector<16xi32>, vector<16xi32>], vector<16xf32>,
      %get3A_314 = arith.index_cast %scan3A_306 : i32 to index
      %get3A_315 = arith.constant 16 : index
      %get3A_316 = tpu.vector_load %arg8[%get3A_314, %get3A_315] {strides = array<i32>} : memref<40x128xi32, #tpu.memory_space<vmem>>, vector<16xi32>,
      %shift_right_logical3A_317 = arith.constant 7 : i32
      %shift_right_logical3A_318 = vector.broadcast %shift_right_logical3A_317 : i32 to vector<16xi32>
      %shift_right_logical3A_319 = arith.shrui %get3A_316, %shift_right_logical3A_318 : vector<16xi32>
      %and3A_320 = arith.constant 127 : i32
      %and3A_321 = vector.broadcast %and3A_320 : i32 to vector<16xi32>
      %and3A_322 = arith.andi %get3A_316, %and3A_321 : vector<16xi32>
      tpu.vector_store_idx %arg9[%shift_right_logical3A_319, %and3A_322], %broadcast_in_dim3A_222 {add = true} : memref<256x128xf32, #tpu.memory_space<vmem>>[vector<16xi32>, vector<16xi32>], vector<16xf32>,
      %get3A_323 = arith.index_cast %scan3A_306 : i32 to index
      %get3A_324 = arith.constant 32 : index
      %get3A_325 = tpu.vector_load %arg8[%get3A_323, %get3A_324] {strides = array<i32>} : memref<40x128xi32, #tpu.memory_space<vmem>>, vector<16xi32>,
      %shift_right_logical3A_326 = arith.constant 7 : i32
      %shift_right_logical3A_327 = vector.broadcast %shift_right_logical3A_326 : i32 to vector<16xi32>
      %shift_right_logical3A_328 = arith.shrui %get3A_325, %shift_right_logical3A_327 : vector<16xi32>
      %and3A_329 = arith.constant 127 : i32
      %and3A_330 = vector.broadcast %and3A_329 : i32 to vector<16xi32>
      %and3A_331 = arith.andi %get3A_325, %and3A_330 : vector<16xi32>
      tpu.vector_store_idx %arg9[%shift_right_logical3A_328, %and3A_331], %broadcast_in_dim3A_222 {add = true} : memref<256x128xf32, #tpu.memory_space<vmem>>[vector<16xi32>, vector<16xi32>], vector<16xf32>,
      %get3A_332 = arith.index_cast %scan3A_306 : i32 to index
      %get3A_333 = arith.constant 48 : index
      %get3A_334 = tpu.vector_load %arg8[%get3A_332, %get3A_333] {strides = array<i32>} : memref<40x128xi32, #tpu.memory_space<vmem>>, vector<16xi32>,
      %shift_right_logical3A_335 = arith.constant 7 : i32
      %shift_right_logical3A_336 = vector.broadcast %shift_right_logical3A_335 : i32 to vector<16xi32>
      %shift_right_logical3A_337 = arith.shrui %get3A_334, %shift_right_logical3A_336 : vector<16xi32>
      %and3A_338 = arith.constant 127 : i32
      %and3A_339 = vector.broadcast %and3A_338 : i32 to vector<16xi32>
      %and3A_340 = arith.andi %get3A_334, %and3A_339 : vector<16xi32>
      tpu.vector_store_idx %arg9[%shift_right_logical3A_337, %and3A_340], %broadcast_in_dim3A_222 {add = true} : memref<256x128xf32, #tpu.memory_space<vmem>>[vector<16xi32>, vector<16xi32>], vector<16xf32>,
      %get3A_341 = arith.index_cast %scan3A_306 : i32 to index
      %get3A_342 = arith.constant 64 : index
      %get3A_343 = tpu.vector_load %arg8[%get3A_341, %get3A_342] {strides = array<i32>} : memref<40x128xi32, #tpu.memory_space<vmem>>, vector<16xi32>,
      %shift_right_logical3A_344 = arith.constant 7 : i32
      %shift_right_logical3A_345 = vector.broadcast %shift_right_logical3A_344 : i32 to vector<16xi32>
      %shift_right_logical3A_346 = arith.shrui %get3A_343, %shift_right_logical3A_345 : vector<16xi32>
      %and3A_347 = arith.constant 127 : i32
      %and3A_348 = vector.broadcast %and3A_347 : i32 to vector<16xi32>
      %and3A_349 = arith.andi %get3A_343, %and3A_348 : vector<16xi32>
      tpu.vector_store_idx %arg9[%shift_right_logical3A_346, %and3A_349], %broadcast_in_dim3A_222 {add = true} : memref<256x128xf32, #tpu.memory_space<vmem>>[vector<16xi32>, vector<16xi32>], vector<16xf32>,
      %get3A_350 = arith.index_cast %scan3A_306 : i32 to index
      %get3A_351 = arith.constant 80 : index
      %get3A_352 = tpu.vector_load %arg8[%get3A_350, %get3A_351] {strides = array<i32>} : memref<40x128xi32, #tpu.memory_space<vmem>>, vector<16xi32>,
      %shift_right_logical3A_353 = arith.constant 7 : i32
      %shift_right_logical3A_354 = vector.broadcast %shift_right_logical3A_353 : i32 to vector<16xi32>
      %shift_right_logical3A_355 = arith.shrui %get3A_352, %shift_right_logical3A_354 : vector<16xi32>
      %and3A_356 = arith.constant 127 : i32
      %and3A_357 = vector.broadcast %and3A_356 : i32 to vector<16xi32>
      %and3A_358 = arith.andi %get3A_352, %and3A_357 : vector<16xi32>
      tpu.vector_store_idx %arg9[%shift_right_logical3A_355, %and3A_358], %broadcast_in_dim3A_222 {add = true} : memref<256x128xf32, #tpu.memory_space<vmem>>[vector<16xi32>, vector<16xi32>], vector<16xf32>,
      %get3A_359 = arith.index_cast %scan3A_306 : i32 to index
      %get3A_360 = arith.constant 96 : index
      %get3A_361 = tpu.vector_load %arg8[%get3A_359, %get3A_360] {strides = array<i32>} : memref<40x128xi32, #tpu.memory_space<vmem>>, vector<16xi32>,
      %shift_right_logical3A_362 = arith.constant 7 : i32
      %shift_right_logical3A_363 = vector.broadcast %shift_right_logical3A_362 : i32 to vector<16xi32>
      %shift_right_logical3A_364 = arith.shrui %get3A_361, %shift_right_logical3A_363 : vector<16xi32>
      %and3A_365 = arith.constant 127 : i32
      %and3A_366 = vector.broadcast %and3A_365 : i32 to vector<16xi32>
      %and3A_367 = arith.andi %get3A_361, %and3A_366 : vector<16xi32>
      tpu.vector_store_idx %arg9[%shift_right_logical3A_364, %and3A_367], %broadcast_in_dim3A_222 {add = true} : memref<256x128xf32, #tpu.memory_space<vmem>>[vector<16xi32>, vector<16xi32>], vector<16xf32>,
      %get3A_368 = arith.index_cast %scan3A_306 : i32 to index
      %get3A_369 = arith.constant 112 : index
      %get3A_370 = tpu.vector_load %arg8[%get3A_368, %get3A_369] {strides = array<i32>} : memref<40x128xi32, #tpu.memory_space<vmem>>, vector<16xi32>,
      %shift_right_logical3A_371 = arith.constant 7 : i32
      %shift_right_logical3A_372 = vector.broadcast %shift_right_logical3A_371 : i32 to vector<16xi32>
      %shift_right_logical3A_373 = arith.shrui %get3A_370, %shift_right_logical3A_372 : vector<16xi32>
      %and3A_374 = arith.constant 127 : i32
      %and3A_375 = vector.broadcast %and3A_374 : i32 to vector<16xi32>
      %and3A_376 = arith.andi %get3A_370, %and3A_375 : vector<16xi32>
      tpu.vector_store_idx %arg9[%shift_right_logical3A_373, %and3A_376], %broadcast_in_dim3A_222 {add = true} : memref<256x128xf32, #tpu.memory_space<vmem>>[vector<16xi32>, vector<16xi32>], vector<16xf32>,
      %scan3A_377 = arith.constant 0 : i32
      scf.yield %scan3A_377 : i32
    }
    %scan3A_233 = arith.constant 40 : i32
    %mul3A_234 = arith.constant 80 : i32
    %mul3A_235 = arith.muli %add3A, %mul3A_234 : i32
    %add3A_236 = arith.constant 40 : i32
    %add3A_237 = arith.addi %mul3A_235, %add3A_236 : i32
    "tpu.region"() ({
      %run_scoped3A_306 = tpu.sem_alloc : memref<!tpu.dma_semaphore, #tpu.memory_space<semaphore_mem>>
      %dma_start3A_307 = arith.constant 0 : i32
      %dma_start3A_308 = tpu.memref_slice %arg4[%add3A_237, %dma_start3A_307] : memref<2560x128xi32, #tpu.memory_space<hbm>> -> memref<40x128xi32, #tpu.memory_space<hbm>>
      %dma_start3A_309 = arith.constant 0 : i32
      %dma_start3A_310 = tpu.memref_slice %arg4[%add3A_237, %dma_start3A_309] : memref<2560x128xi32, #tpu.memory_space<hbm>> -> memref<40x128xi32, #tpu.memory_space<hbm>>
      tpu.enqueue_dma source(%dma_start3A_310 : memref<40x128xi32, #tpu.memory_space<hbm>>) target(%arg8 : memref<40x128xi32, #tpu.memory_space<vmem>>) target_semaphore(%run_scoped3A_306 : memref<!tpu.dma_semaphore, #tpu.memory_space<semaphore_mem>>)
      %dma_wait3A = arith.constant 0 : i32
      %dma_wait3A_311 = tpu.memref_slice %arg4[%add3A_237, %dma_wait3A] : memref<2560x128xi32, #tpu.memory_space<hbm>> -> memref<40x128xi32, #tpu.memory_space<hbm>>
      %dma_wait3A_312 = arith.constant 0 : i32
      %dma_wait3A_313 = tpu.memref_slice %arg4[%add3A_237, %dma_wait3A_312] : memref<2560x128xi32, #tpu.memory_space<hbm>> -> memref<40x128xi32, #tpu.memory_space<hbm>>
      tpu.wait_dma2 semaphore(%run_scoped3A_306 : memref<!tpu.dma_semaphore, #tpu.memory_space<semaphore_mem>>) src(%dma_wait3A_313 : memref<40x128xi32, #tpu.memory_space<hbm>>) dst(%arg8 : memref<40x128xi32, #tpu.memory_space<vmem>>)
      tpu.yield
    }) : () -> ()
    %scan3A_238 = arith.constant 0 : i32
    %scan3A_239 = arith.constant 0 : i32
    %scan3A_240 = arith.constant 40 : i32
    %scan3A_241 = arith.addi %scan3A_239, %scan3A_240 : i32
    %scan3A_242 = arith.constant 1 : i32
    %scan3A_243 = scf.for %scan3A_306 = %scan3A_239 to %scan3A_241 step %scan3A_242 iter_args(%scan3A_307 = %scan3A_238) -> (i32)  : i32 {
      %get3A = arith.index_cast %scan3A_306 : i32 to index
      %get3A_308 = arith.constant 0 : index
      %get3A_309 = tpu.vector_load %arg8[%get3A, %get3A_308] {strides = array<i32>} : memref<40x128xi32, #tpu.memory_space<vmem>>, vector<16xi32>,
      %shift_right_logical3A = arith.constant 7 : i32
      %shift_right_logical3A_310 = vector.broadcast %shift_right_logical3A : i32 to vector<16xi32>
      %shift_right_logical3A_311 = arith.shrui %get3A_309, %shift_right_logical3A_310 : vector<16xi32>
      %and3A = arith.constant 127 : i32
      %and3A_312 = vector.broadcast %and3A : i32 to vector<16xi32>
      %and3A_313 = arith.andi %get3A_309, %and3A_312 : vector<16xi32>
      tpu.vector_store_idx %arg9[%shift_right_logical3A_311, %and3A_313], %broadcast_in_dim3A_222 {add = true} : memref<256x128xf32, #tpu.memory_space<vmem>>[vector<16xi32>, vector<16xi32>], vector<16xf32>,
      %get3A_314 = arith.index_cast %scan3A_306 : i32 to index
      %get3A_315 = arith.constant 16 : index
      %get3A_316 = tpu.vector_load %arg8[%get3A_314, %get3A_315] {strides = array<i32>} : memref<40x128xi32, #tpu.memory_space<vmem>>, vector<16xi32>,
      %shift_right_logical3A_317 = arith.constant 7 : i32
      %shift_right_logical3A_318 = vector.broadcast %shift_right_logical3A_317 : i32 to vector<16xi32>
      %shift_right_logical3A_319 = arith.shrui %get3A_316, %shift_right_logical3A_318 : vector<16xi32>
      %and3A_320 = arith.constant 127 : i32
      %and3A_321 = vector.broadcast %and3A_320 : i32 to vector<16xi32>
      %and3A_322 = arith.andi %get3A_316, %and3A_321 : vector<16xi32>
      tpu.vector_store_idx %arg9[%shift_right_logical3A_319, %and3A_322], %broadcast_in_dim3A_222 {add = true} : memref<256x128xf32, #tpu.memory_space<vmem>>[vector<16xi32>, vector<16xi32>], vector<16xf32>,
      %get3A_323 = arith.index_cast %scan3A_306 : i32 to index
      %get3A_324 = arith.constant 32 : index
      %get3A_325 = tpu.vector_load %arg8[%get3A_323, %get3A_324] {strides = array<i32>} : memref<40x128xi32, #tpu.memory_space<vmem>>, vector<16xi32>,
      %shift_right_logical3A_326 = arith.constant 7 : i32
      %shift_right_logical3A_327 = vector.broadcast %shift_right_logical3A_326 : i32 to vector<16xi32>
      %shift_right_logical3A_328 = arith.shrui %get3A_325, %shift_right_logical3A_327 : vector<16xi32>
      %and3A_329 = arith.constant 127 : i32
      %and3A_330 = vector.broadcast %and3A_329 : i32 to vector<16xi32>
      %and3A_331 = arith.andi %get3A_325, %and3A_330 : vector<16xi32>
      tpu.vector_store_idx %arg9[%shift_right_logical3A_328, %and3A_331], %broadcast_in_dim3A_222 {add = true} : memref<256x128xf32, #tpu.memory_space<vmem>>[vector<16xi32>, vector<16xi32>], vector<16xf32>,
      %get3A_332 = arith.index_cast %scan3A_306 : i32 to index
      %get3A_333 = arith.constant 48 : index
      %get3A_334 = tpu.vector_load %arg8[%get3A_332, %get3A_333] {strides = array<i32>} : memref<40x128xi32, #tpu.memory_space<vmem>>, vector<16xi32>,
      %shift_right_logical3A_335 = arith.constant 7 : i32
      %shift_right_logical3A_336 = vector.broadcast %shift_right_logical3A_335 : i32 to vector<16xi32>
      %shift_right_logical3A_337 = arith.shrui %get3A_334, %shift_right_logical3A_336 : vector<16xi32>
      %and3A_338 = arith.constant 127 : i32
      %and3A_339 = vector.broadcast %and3A_338 : i32 to vector<16xi32>
      %and3A_340 = arith.andi %get3A_334, %and3A_339 : vector<16xi32>
      tpu.vector_store_idx %arg9[%shift_right_logical3A_337, %and3A_340], %broadcast_in_dim3A_222 {add = true} : memref<256x128xf32, #tpu.memory_space<vmem>>[vector<16xi32>, vector<16xi32>], vector<16xf32>,
      %get3A_341 = arith.index_cast %scan3A_306 : i32 to index
      %get3A_342 = arith.constant 64 : index
      %get3A_343 = tpu.vector_load %arg8[%get3A_341, %get3A_342] {strides = array<i32>} : memref<40x128xi32, #tpu.memory_space<vmem>>, vector<16xi32>,
      %shift_right_logical3A_344 = arith.constant 7 : i32
      %shift_right_logical3A_345 = vector.broadcast %shift_right_logical3A_344 : i32 to vector<16xi32>
      %shift_right_logical3A_346 = arith.shrui %get3A_343, %shift_right_logical3A_345 : vector<16xi32>
      %and3A_347 = arith.constant 127 : i32
      %and3A_348 = vector.broadcast %and3A_347 : i32 to vector<16xi32>
      %and3A_349 = arith.andi %get3A_343, %and3A_348 : vector<16xi32>
      tpu.vector_store_idx %arg9[%shift_right_logical3A_346, %and3A_349], %broadcast_in_dim3A_222 {add = true} : memref<256x128xf32, #tpu.memory_space<vmem>>[vector<16xi32>, vector<16xi32>], vector<16xf32>,
      %get3A_350 = arith.index_cast %scan3A_306 : i32 to index
      %get3A_351 = arith.constant 80 : index
      %get3A_352 = tpu.vector_load %arg8[%get3A_350, %get3A_351] {strides = array<i32>} : memref<40x128xi32, #tpu.memory_space<vmem>>, vector<16xi32>,
      %shift_right_logical3A_353 = arith.constant 7 : i32
      %shift_right_logical3A_354 = vector.broadcast %shift_right_logical3A_353 : i32 to vector<16xi32>
      %shift_right_logical3A_355 = arith.shrui %get3A_352, %shift_right_logical3A_354 : vector<16xi32>
      %and3A_356 = arith.constant 127 : i32
      %and3A_357 = vector.broadcast %and3A_356 : i32 to vector<16xi32>
      %and3A_358 = arith.andi %get3A_352, %and3A_357 : vector<16xi32>
      tpu.vector_store_idx %arg9[%shift_right_logical3A_355, %and3A_358], %broadcast_in_dim3A_222 {add = true} : memref<256x128xf32, #tpu.memory_space<vmem>>[vector<16xi32>, vector<16xi32>], vector<16xf32>,
      %get3A_359 = arith.index_cast %scan3A_306 : i32 to index
      %get3A_360 = arith.constant 96 : index
      %get3A_361 = tpu.vector_load %arg8[%get3A_359, %get3A_360] {strides = array<i32>} : memref<40x128xi32, #tpu.memory_space<vmem>>, vector<16xi32>,
      %shift_right_logical3A_362 = arith.constant 7 : i32
      %shift_right_logical3A_363 = vector.broadcast %shift_right_logical3A_362 : i32 to vector<16xi32>
      %shift_right_logical3A_364 = arith.shrui %get3A_361, %shift_right_logical3A_363 : vector<16xi32>
      %and3A_365 = arith.constant 127 : i32
      %and3A_366 = vector.broadcast %and3A_365 : i32 to vector<16xi32>
      %and3A_367 = arith.andi %get3A_361, %and3A_366 : vector<16xi32>
      tpu.vector_store_idx %arg9[%shift_right_logical3A_364, %and3A_367], %broadcast_in_dim3A_222 {add = true} : memref<256x128xf32, #tpu.memory_space<vmem>>[vector<16xi32>, vector<16xi32>], vector<16xf32>,
      %get3A_368 = arith.index_cast %scan3A_306 : i32 to index
      %get3A_369 = arith.constant 112 : index
      %get3A_370 = tpu.vector_load %arg8[%get3A_368, %get3A_369] {strides = array<i32>} : memref<40x128xi32, #tpu.memory_space<vmem>>, vector<16xi32>,
      %shift_right_logical3A_371 = arith.constant 7 : i32
      %shift_right_logical3A_372 = vector.broadcast %shift_right_logical3A_371 : i32 to vector<16xi32>
      %shift_right_logical3A_373 = arith.shrui %get3A_370, %shift_right_logical3A_372 : vector<16xi32>
      %and3A_374 = arith.constant 127 : i32
      %and3A_375 = vector.broadcast %and3A_374 : i32 to vector<16xi32>
      %and3A_376 = arith.andi %get3A_370, %and3A_375 : vector<16xi32>
      tpu.vector_store_idx %arg9[%shift_right_logical3A_373, %and3A_376], %broadcast_in_dim3A_222 {add = true} : memref<256x128xf32, #tpu.memory_space<vmem>>[vector<16xi32>, vector<16xi32>], vector<16xf32>,
      %scan3A_377 = arith.constant 0 : i32
      scf.yield %scan3A_377 : i32
    }
    %scan3A_244 = arith.constant 40 : i32
    %iota3A = tpu.iota {dimensions = array<i32: 0>} : vector<16xi32>
    %add3A_245 = arith.constant 0 : i32
    %add3A_246 = vector.broadcast %add3A_245 : i32 to vector<16xi32>
    %add3A_247 = arith.addi %iota3A, %add3A_246 : vector<16xi32>
    %swap3A = arith.constant 0 : i32
    %swap3A_248 = arith.index_cast %swap3A : i32 to index
    %swap3A_249 = arith.constant 0 : index
    %swap3A_250 = tpu.vector_load %arg8[%swap3A_248, %swap3A_249] {strides = array<i32>} : memref<40x128xi32, #tpu.memory_space<vmem>>, vector<16xi32>,
    tpu.vector_store %arg8[%swap3A_248, %swap3A_249], %add3A_247 {strides = array<i32>} : memref<40x128xi32, #tpu.memory_space<vmem>>, vector<16xi32>,
    %add3A_251 = arith.constant 16 : i32
    %add3A_252 = vector.broadcast %add3A_251 : i32 to vector<16xi32>
    %add3A_253 = arith.addi %iota3A, %add3A_252 : vector<16xi32>
    %swap3A_254 = arith.constant 0 : i32
    %swap3A_255 = arith.index_cast %swap3A_254 : i32 to index
    %swap3A_256 = arith.constant 16 : index
    %swap3A_257 = tpu.vector_load %arg8[%swap3A_255, %swap3A_256] {strides = array<i32>} : memref<40x128xi32, #tpu.memory_space<vmem>>, vector<16xi32>,
    tpu.vector_store %arg8[%swap3A_255, %swap3A_256], %add3A_253 {strides = array<i32>} : memref<40x128xi32, #tpu.memory_space<vmem>>, vector<16xi32>,
    %add3A_258 = arith.constant 32 : i32
    %add3A_259 = vector.broadcast %add3A_258 : i32 to vector<16xi32>
    %add3A_260 = arith.addi %iota3A, %add3A_259 : vector<16xi32>
    %swap3A_261 = arith.constant 0 : i32
    %swap3A_262 = arith.index_cast %swap3A_261 : i32 to index
    %swap3A_263 = arith.constant 32 : index
    %swap3A_264 = tpu.vector_load %arg8[%swap3A_262, %swap3A_263] {strides = array<i32>} : memref<40x128xi32, #tpu.memory_space<vmem>>, vector<16xi32>,
    tpu.vector_store %arg8[%swap3A_262, %swap3A_263], %add3A_260 {strides = array<i32>} : memref<40x128xi32, #tpu.memory_space<vmem>>, vector<16xi32>,
    %add3A_265 = arith.constant 48 : i32
    %add3A_266 = vector.broadcast %add3A_265 : i32 to vector<16xi32>
    %add3A_267 = arith.addi %iota3A, %add3A_266 : vector<16xi32>
    %swap3A_268 = arith.constant 0 : i32
    %swap3A_269 = arith.index_cast %swap3A_268 : i32 to index
    %swap3A_270 = arith.constant 48 : index
    %swap3A_271 = tpu.vector_load %arg8[%swap3A_269, %swap3A_270] {strides = array<i32>} : memref<40x128xi32, #tpu.memory_space<vmem>>, vector<16xi32>,
    tpu.vector_store %arg8[%swap3A_269, %swap3A_270], %add3A_267 {strides = array<i32>} : memref<40x128xi32, #tpu.memory_space<vmem>>, vector<16xi32>,
    %add3A_272 = arith.constant 64 : i32
    %add3A_273 = vector.broadcast %add3A_272 : i32 to vector<16xi32>
    %add3A_274 = arith.addi %iota3A, %add3A_273 : vector<16xi32>
    %swap3A_275 = arith.constant 0 : i32
    %swap3A_276 = arith.index_cast %swap3A_275 : i32 to index
    %swap3A_277 = arith.constant 64 : index
    %swap3A_278 = tpu.vector_load %arg8[%swap3A_276, %swap3A_277] {strides = array<i32>} : memref<40x128xi32, #tpu.memory_space<vmem>>, vector<16xi32>,
    tpu.vector_store %arg8[%swap3A_276, %swap3A_277], %add3A_274 {strides = array<i32>} : memref<40x128xi32, #tpu.memory_space<vmem>>, vector<16xi32>,
    %add3A_279 = arith.constant 80 : i32
    %add3A_280 = vector.broadcast %add3A_279 : i32 to vector<16xi32>
    %add3A_281 = arith.addi %iota3A, %add3A_280 : vector<16xi32>
    %swap3A_282 = arith.constant 0 : i32
    %swap3A_283 = arith.index_cast %swap3A_282 : i32 to index
    %swap3A_284 = arith.constant 80 : index
    %swap3A_285 = tpu.vector_load %arg8[%swap3A_283, %swap3A_284] {strides = array<i32>} : memref<40x128xi32, #tpu.memory_space<vmem>>, vector<16xi32>,
    tpu.vector_store %arg8[%swap3A_283, %swap3A_284], %add3A_281 {strides = array<i32>} : memref<40x128xi32, #tpu.memory_space<vmem>>, vector<16xi32>,
    %add3A_286 = arith.constant 96 : i32
    %add3A_287 = vector.broadcast %add3A_286 : i32 to vector<16xi32>
    %add3A_288 = arith.addi %iota3A, %add3A_287 : vector<16xi32>
    %swap3A_289 = arith.constant 0 : i32
    %swap3A_290 = arith.index_cast %swap3A_289 : i32 to index
    %swap3A_291 = arith.constant 96 : index
    %swap3A_292 = tpu.vector_load %arg8[%swap3A_290, %swap3A_291] {strides = array<i32>} : memref<40x128xi32, #tpu.memory_space<vmem>>, vector<16xi32>,
    tpu.vector_store %arg8[%swap3A_290, %swap3A_291], %add3A_288 {strides = array<i32>} : memref<40x128xi32, #tpu.memory_space<vmem>>, vector<16xi32>,
    %add3A_293 = arith.constant 112 : i32
    %add3A_294 = vector.broadcast %add3A_293 : i32 to vector<16xi32>
    %add3A_295 = arith.addi %iota3A, %add3A_294 : vector<16xi32>
    %swap3A_296 = arith.constant 0 : i32
    %swap3A_297 = arith.index_cast %swap3A_296 : i32 to index
    %swap3A_298 = arith.constant 112 : index
    %swap3A_299 = tpu.vector_load %arg8[%swap3A_297, %swap3A_298] {strides = array<i32>} : memref<40x128xi32, #tpu.memory_space<vmem>>, vector<16xi32>,
    tpu.vector_store %arg8[%swap3A_297, %swap3A_298], %add3A_295 {strides = array<i32>} : memref<40x128xi32, #tpu.memory_space<vmem>>, vector<16xi32>,
    %run_scoped3A = arith.constant 0 : i32
    "tpu.region"() ({
      %run_scoped3A_306 = tpu.sem_alloc : memref<!tpu.dma_semaphore, #tpu.memory_space<semaphore_mem>>
      %dma_start3A_307 = arith.constant 0 : i32
      %dma_start3A_308 = arith.constant 0 : i32
      %dma_start3A_309 = tpu.memref_slice %arg9[%dma_start3A_307, %dma_start3A_308] : memref<256x128xf32, #tpu.memory_space<vmem>> -> memref<128x128xf32, #tpu.memory_space<vmem>>
      %dma_start3A_310 = arith.constant 0 : i32
      %dma_start3A_311 = tpu.memref_slice %arg8[%run_scoped3A, %dma_start3A_310] : memref<40x128xi32, #tpu.memory_space<vmem>> -> memref<1x128xi32, #tpu.memory_space<vmem>>
      %dma_start3A_312 = tpu.memref_squeeze %dma_start3A_311 : memref<1x128xi32, #tpu.memory_space<vmem>> -> memref<128xi32, #tpu.memory_space<vmem>>
      %dma_start3A_313 = arith.constant 0 : i32
      %dma_start3A_314 = arith.constant 0 : i32
      %dma_start3A_315 = tpu.memref_slice %arg11[%dma_start3A_313, %dma_start3A_314] : memref<128x128xf32, #tpu.memory_space<vmem_shared>> -> memref<128x128xf32, #tpu.memory_space<vmem_shared>>
      tpu.enqueue_indirect_dma source(%dma_start3A_309 : memref<128x128xf32, #tpu.memory_space<vmem>>) target(%dma_start3A_315 : memref<128x128xf32, #tpu.memory_space<vmem_shared>>) offsets(%dma_start3A_312 : memref<128xi32, #tpu.memory_space<vmem>>) semaphore(%run_scoped3A_306 : memref<!tpu.dma_semaphore, #tpu.memory_space<semaphore_mem>>) {add = true}
      %dma_wait3A = arith.constant 0 : i32
      %dma_wait3A_316 = arith.constant 0 : i32
      %dma_wait3A_317 = tpu.memref_slice %arg9[%dma_wait3A, %dma_wait3A_316] : memref<256x128xf32, #tpu.memory_space<vmem>> -> memref<128x128xf32, #tpu.memory_space<vmem>>
      %dma_wait3A_318 = arith.constant 0 : i32
      %dma_wait3A_319 = tpu.memref_slice %arg8[%run_scoped3A, %dma_wait3A_318] : memref<40x128xi32, #tpu.memory_space<vmem>> -> memref<1x128xi32, #tpu.memory_space<vmem>>
      %dma_wait3A_320 = tpu.memref_squeeze %dma_wait3A_319 : memref<1x128xi32, #tpu.memory_space<vmem>> -> memref<128xi32, #tpu.memory_space<vmem>>
      %dma_wait3A_321 = arith.constant 0 : i32
      %dma_wait3A_322 = arith.constant 0 : i32
      %dma_wait3A_323 = tpu.memref_slice %arg11[%dma_wait3A_321, %dma_wait3A_322] : memref<128x128xf32, #tpu.memory_space<vmem_shared>> -> memref<128x128xf32, #tpu.memory_space<vmem_shared>>
      tpu.wait_indirect_dma semaphore(%run_scoped3A_306 : memref<!tpu.dma_semaphore, #tpu.memory_space<semaphore_mem>>) src(%dma_wait3A_317 : memref<128x128xf32, #tpu.memory_space<vmem>>) dst(%dma_wait3A_323 : memref<128x128xf32, #tpu.memory_space<vmem_shared>>)
      tpu.yield
    }) : () -> ()
    %barrier3A_300 = arith.constant 0 : index
    tpu.barrier barrier_id(%barrier3A_300)
    %eq3A_301 = arith.constant 0 : i32
    %eq3A_302 = arith.cmpi eq, %arg1, %eq3A_301 : i32
    %convert_element_type3A_303 = arith.extui %eq3A_302 : i1 to i32
    %cond3A_304 = arith.constant 0 : i32
    %cond3A_305 = arith.cmpi ne, %convert_element_type3A_303, %cond3A_304 : i32
    scf.if %cond3A_305 {
      "tpu.region"() ({
        %run_scoped3A_306 = tpu.sem_alloc : memref<!tpu.dma_semaphore, #tpu.memory_space<semaphore_mem>>
        %dma_start3A_307 = arith.constant 0 : i32
        %dma_start3A_308 = arith.constant 0 : i32
        %dma_start3A_309 = tpu.memref_slice %arg6[%arg0, %dma_start3A_307, %dma_start3A_308] : memref<2x128x128xf32, #tpu.memory_space<hbm>> -> memref<1x128x128xf32, #tpu.memory_space<hbm>>
        %dma_start3A_310 = tpu.memref_squeeze %dma_start3A_309 : memref<1x128x128xf32, #tpu.memory_space<hbm>> -> memref<128x128xf32, #tpu.memory_space<hbm>>
        tpu.enqueue_dma source(%arg11 : memref<128x128xf32, #tpu.memory_space<vmem_shared>>) target(%dma_start3A_310 : memref<128x128xf32, #tpu.memory_space<hbm>>) target_semaphore(%run_scoped3A_306 : memref<!tpu.dma_semaphore, #tpu.memory_space<semaphore_mem>>)
        %dma_wait3A = arith.constant 0 : i32
        %dma_wait3A_311 = arith.constant 0 : i32
        %dma_wait3A_312 = tpu.memref_slice %arg6[%arg0, %dma_wait3A, %dma_wait3A_311] : memref<2x128x128xf32, #tpu.memory_space<hbm>> -> memref<1x128x128xf32, #tpu.memory_space<hbm>>
        %dma_wait3A_313 = tpu.memref_squeeze %dma_wait3A_312 : memref<1x128x128xf32, #tpu.memory_space<hbm>> -> memref<128x128xf32, #tpu.memory_space<hbm>>
        tpu.wait_dma2 semaphore(%run_scoped3A_306 : memref<!tpu.dma_semaphore, #tpu.memory_space<semaphore_mem>>) src(%arg11 : memref<128x128xf32, #tpu.memory_space<vmem_shared>>) dst(%dma_wait3A_313 : memref<128x128xf32, #tpu.memory_space<hbm>>)
        tpu.yield
      }) : () -> ()
    } else {
    }
    return
  }
}

module attributes {stable_mosaic.version = 14 : i64} {
  func.func @tc_kernel(%arg0: i32, %arg1: memref<2x2000x128xf32, #tpu.memory_space<vmem>>, %arg2: memref<2x2000x1xf32, #tpu.memory_space<vmem>>, %arg3: memref<2000x128xf32, #tpu.memory_space<vmem>>, %arg4: memref<128x128xf32, #tpu.memory_space<vmem>>, %arg5: memref<128x128xf32, #tpu.memory_space<vmem>>, %arg6: memref<1x128xf32, #tpu.memory_space<vmem>>, %arg7: memref<2000x128xf32, #tpu.memory_space<vmem>>) attributes {dimension_semantics = [#tpu.dimension_semantics<arbitrary>], iteration_bounds = array<i64: 5>, scalar_prefetch = 0 : i64, scratch_operands = 0 : i64, tpu.core_type = #tpu.core_type<tc>, window_params = [{transform_indices = @transform_0, window_bounds = array<i64: 2, 2000, 128>}, {transform_indices = @transform_1, window_bounds = array<i64: 2, 2000, 1>}, {transform_indices = @transform_2, window_bounds = array<i64: 2000, 128>}, {pipeline_mode = #tpu.pipeline_mode<synchronous>, transform_indices = @transform_3, window_bounds = array<i64: 128, 128>}, {pipeline_mode = #tpu.pipeline_mode<synchronous>, transform_indices = @transform_4, window_bounds = array<i64: 128, 128>}, {pipeline_mode = #tpu.pipeline_mode<synchronous>, transform_indices = @transform_5, window_bounds = array<i64: 1, 128>}, {transform_indices = @transform_6, window_bounds = array<i64: 2000, 128>}]} {
    %get3A = arith.constant 0 : index
    %get3A_0 = arith.constant 0 : index
    %get3A_1 = arith.constant 0 : index
    %get3A_2 = vector.load %arg1[%get3A, %get3A_0, %get3A_1] : memref<2x2000x128xf32, #tpu.memory_space<vmem>>, vector<1x2000x128xf32>
    %get3A_3 = vector.shape_cast %get3A_2 : vector<1x2000x128xf32> to vector<2000x128xf32>
    %get3A_4 = arith.constant 0 : index
    %get3A_5 = arith.constant 0 : index
    %get3A_6 = arith.constant 0 : index
    %get3A_7 = vector.load %arg2[%get3A_4, %get3A_5, %get3A_6] : memref<2x2000x1xf32, #tpu.memory_space<vmem>>, vector<1x2000x1xf32>
    %get3A_8 = vector.shape_cast %get3A_7 : vector<1x2000x1xf32> to vector<2000x1xf32>
    %get3A_9 = arith.constant 1 : index
    %get3A_10 = arith.constant 0 : index
    %get3A_11 = arith.constant 0 : index
    %get3A_12 = vector.load %arg1[%get3A_9, %get3A_10, %get3A_11] : memref<2x2000x128xf32, #tpu.memory_space<vmem>>, vector<1x2000x128xf32>
    %get3A_13 = vector.shape_cast %get3A_12 : vector<1x2000x128xf32> to vector<2000x128xf32>
    %add3A = arith.addf %get3A_3, %get3A_13 : vector<2000x128xf32>
    %get3A_14 = arith.constant 1 : index
    %get3A_15 = arith.constant 0 : index
    %get3A_16 = arith.constant 0 : index
    %get3A_17 = vector.load %arg2[%get3A_14, %get3A_15, %get3A_16] : memref<2x2000x1xf32, #tpu.memory_space<vmem>>, vector<1x2000x1xf32>
    %get3A_18 = vector.shape_cast %get3A_17 : vector<1x2000x1xf32> to vector<2000x1xf32>
    %add3A_19 = arith.addf %get3A_8, %get3A_18 : vector<2000x1xf32>
    %max3A = arith.constant 1.000000e+00 : f32
    %max3A_20 = vector.broadcast %max3A : f32 to vector<2000x1xf32>
    %max3A_21 = arith.maximumf %add3A_19, %max3A_20 : vector<2000x1xf32>
    %div3A = vector.broadcast %max3A_21 : vector<2000x1xf32> to vector<2000x128xf32>
    %div3A_22 = arith.divf %add3A, %div3A : vector<2000x128xf32>
    %get3A_23 = arith.constant 0 : index
    %get3A_24 = arith.constant 0 : index
    %get3A_25 = vector.load %arg4[%get3A_23, %get3A_24] : memref<128x128xf32, #tpu.memory_space<vmem>>, vector<128x128xf32>
    %dot_general3A = arith.constant dense<0.000000e+00> : vector<2000x128xf32>
    %dot_general3A_26 = tpu.matmul %div3A_22, %get3A_25, %dot_general3A {dimension_numbers = #tpu.dot_dimension_numbers<[1], [0], [0], [1], [0, 0, 1, 1], [], []>, transpose_lhs_hint = false} : vector<2000x128xf32>, vector<128x128xf32>, vector<2000x128xf32> -> vector<2000x128xf32>
    %get3A_27 = arith.constant 0 : index
    %get3A_28 = arith.constant 0 : index
    %get3A_29 = vector.load %arg3[%get3A_27, %get3A_28] : memref<2000x128xf32, #tpu.memory_space<vmem>>, vector<2000x128xf32>
    %get3A_30 = arith.constant 0 : index
    %get3A_31 = arith.constant 0 : index
    %get3A_32 = vector.load %arg5[%get3A_30, %get3A_31] : memref<128x128xf32, #tpu.memory_space<vmem>>, vector<128x128xf32>
    %dot_general3A_33 = arith.constant dense<0.000000e+00> : vector<2000x128xf32>
    %dot_general3A_34 = tpu.matmul %get3A_29, %get3A_32, %dot_general3A_33 {dimension_numbers = #tpu.dot_dimension_numbers<[1], [0], [0], [1], [0, 0, 1, 1], [], []>, transpose_lhs_hint = false} : vector<2000x128xf32>, vector<128x128xf32>, vector<2000x128xf32> -> vector<2000x128xf32>
    %add3A_35 = arith.addf %dot_general3A_26, %dot_general3A_34 : vector<2000x128xf32>
    %get3A_36 = arith.constant 0 : index
    %get3A_37 = arith.constant 0 : index
    %get3A_38 = vector.load %arg6[%get3A_36, %get3A_37] : memref<1x128xf32, #tpu.memory_space<vmem>>, vector<1x128xf32>
    %add3A_39 = vector.broadcast %get3A_38 : vector<1x128xf32> to vector<2000x128xf32>
    %add3A_40 = arith.addf %add3A_35, %add3A_39 : vector<2000x128xf32>
    %max3A_41 = arith.constant 0.000000e+00 : f32
    %max3A_42 = vector.broadcast %max3A_41 : f32 to vector<2000x128xf32>
    %max3A_43 = arith.maximumf %add3A_40, %max3A_42 : vector<2000x128xf32>
    %swap3A = arith.constant 0 : index
    %swap3A_44 = arith.constant 0 : index
    %swap3A_45 = vector.load %arg7[%swap3A, %swap3A_44] : memref<2000x128xf32, #tpu.memory_space<vmem>>, vector<2000x128xf32>
    tpu.vector_store %arg7[%swap3A, %swap3A_44], %max3A_43 {strides = array<i32>} : memref<2000x128xf32, #tpu.memory_space<vmem>>, vector<2000x128xf32>,
    return
  }
  func.func @transform_0(%arg0: i32) -> (i32, i32, i32) {
    %c0_i32 = arith.constant 0 : i32
    %c0_i32_0 = arith.constant 0 : i32
    %c0_i32_1 = arith.constant 0 : i32
    return %c0_i32, %arg0, %c0_i32_0 : i32, i32, i32
  }
  func.func @transform_1(%arg0: i32) -> (i32, i32, i32) {
    %c0_i32 = arith.constant 0 : i32
    %c0_i32_0 = arith.constant 0 : i32
    %c0_i32_1 = arith.constant 0 : i32
    return %c0_i32, %arg0, %c0_i32_0 : i32, i32, i32
  }
  func.func @transform_2(%arg0: i32) -> (i32, i32) {
    %c0_i32 = arith.constant 0 : i32
    %c0_i32_0 = arith.constant 0 : i32
    return %arg0, %c0_i32 : i32, i32
  }
  func.func @transform_3(%arg0: i32) -> (i32, i32) {
    %c0_i32 = arith.constant 0 : i32
    %c0_i32_0 = arith.constant 0 : i32
    %c0_i32_1 = arith.constant 0 : i32
    return %c0_i32, %c0_i32_0 : i32, i32
  }
  func.func @transform_4(%arg0: i32) -> (i32, i32) {
    %c0_i32 = arith.constant 0 : i32
    %c0_i32_0 = arith.constant 0 : i32
    %c0_i32_1 = arith.constant 0 : i32
    return %c0_i32, %c0_i32_0 : i32, i32
  }
  func.func @transform_5(%arg0: i32) -> (i32, i32) {
    %c0_i32 = arith.constant 0 : i32
    %c0_i32_0 = arith.constant 0 : i32
    %c0_i32_1 = arith.constant 0 : i32
    return %c0_i32, %c0_i32_0 : i32, i32
  }
  func.func @transform_6(%arg0: i32) -> (i32, i32) {
    %c0_i32 = arith.constant 0 : i32
    %c0_i32_0 = arith.constant 0 : i32
    return %arg0, %c0_i32 : i32, i32
  }
}

</mosaic_0001>

<sc_bundles>
// kernel: kernel.4.cloned.1.call-start
scs
__scs_entry_jumppad:
0x0: {  	(pc) =	sbr.rel $0x88, $3  }
0x1: {  	(tag) =	ssettag $0x0;
	lr =	simm.s32 $0x1  }
0x2: {  	[smem:$0x3F9C] =	sst lr;
	_ =	strace $0xD0000000  }
0x3: {  	_ = 	snop  }
0x4: {  	_ = 	snop  }
0x5: {  	_ = 	snop  }
0x6: {  	_ = 	snop  }
0x7: {  	_ = 	snop  }
__scs_overlays_trampoline_lowered:
0x8: {  	[smem:$0x3FAB] =	sst s0  }
0x9: {  	[smem:$0x3FAC] =	sst s1  }
0xa: {  	[smem:$0x3FAD] =	sst s2  }
0xb: {  	[smem:$0x3FAE] =	sst s3  }
0xc: {  	[smem:$0x3FAF] =	sst s4  }
0xd: {  	[smem:$0x3FB0] =	sst s5  }
0xe: {  	[smem:$0x3FB1] =	sst s6  }
0xf: {  	[smem:$0x3FB2] =	sst s7  }
0x10: {  	[smem:$0x3FB3] =	sst s8  }
0x11: {  	[smem:$0x3FB4] =	sst s9;
	s0 =	simm.s32 @!p0 $0x0  }
0x12: {  	s1 =	sld [smem:$0x3F9A];
	s0 =	simm.s32 @p0 $0x1  }
0x13: {  	[smem:$0x3FB5] =	sst s0;
	s0 =	simm.s32 @!p1 $0x0  }
0x14: {  	s2 =	sld [smem:$0x3F99];
	s0 =	simm.s32 @p1 $0x1  }
0x15: {  	[smem:$0x3FB6] =	sst s0;
	s0 =	simm.s32 @!p2 $0x0  }
0x16: {  	s3 =	sld [smem:$0x3FDB];
	s0 =	simm.s32 @p2 $0x1  }
0x17: {  	s4 =	simm.s32 $0x1BF5;
	[smem:$0x3FB8] =	sst s0  }
0x18: {  	s0 =	sld [smem:$0x3F9B];
	_ =	swait.ge [sflag:s4], $0x0  }
0x19: {  	s7 =	sld [smem:$0x3F9C]  }
0x1a: {  	s8 =	sadd.s32 $0xFFFFE003, lr  }
0x1b: {  	s9 =	sadd.s32 $0xFFFFFEF7, lr;
	s5 =	simm.s32 $0xFFFFFFFF;
	p2 =	slt.u32 s8, $0xFFFFF086  }
0x1c: {  	p1 =	slt.u32 s9, $0xF7A;
	s5 =	simm.s32 @!p2 $0x0  }
0x1d: {  	s5 =	simm.s32 @p1 $0x1;
	p0 =	seq.s32 s7, s2  }
0x1e: {  	s7 =	smul.u32 @!p0 $0xF7A, s2;
	p2 =	seq.s32 @!p0 s5, $0x0  }
0x1f: {  	s9 =	smul.u32 $0xF7A, s1;
	s8 =	simm.s32 @!p0 $0x1BF5;
	p2 =	por !p2, p0  }
0x20: {  	[sflag:s8] =	ssyncset.s32 @!p0 $0xFFFFF086;
	s6 =	sadd.s32 @!p0 s3, s7;
	s7 =	simm.s32 @!p0 $0x108  }
0x21: {  	s3 =	sadd.s32 s3, s9;
	s6 =	sadd.s32 @!p0 $0x88, s6;
	s7 =	simm.s32 @p2 $0x1082  }
0x22: {  	[simem:s7], [sflag:s8] =	dma.local @!p0 [hbm:s6], $0xF7A  }
0x23: {  	s9 =	sor.u32 $0xD0000000, s2;
	s6 =	simm.s32 $0x108;
	_ =	swait.ge @!p0 [sflag:s8], $0x0  }
0x24: {  	s3 =	sadd.s32 $0x88, s3;
	s6 =	simm.s32 @!p1 $0x1082;
	[sflag:s4] =	ssyncset.s32 $0xFFFFF086  }
0x25: {  	[simem:s6], [sflag:s4] =	dma.local [hbm:s3], $0xF7A  }
0x26: {  	[smem:$0x3F9C] =	sst s1;
	(tag) =	ssettag s2;
	_ =	strace s9  }
0x27: {  	s1 =	sld [smem:$0x3FAC]  }
0x28: {  	s2 =	sld [smem:$0x3FAD]  }
0x29: {  	s4 =	sld [smem:$0x3FAF]  }
0x2a: {  	p0 =	seq.s32 s5, $0x0;
	s5 =	sld [smem:$0x3FB0]  }
0x2b: {  	s6 =	sld [smem:$0x3FB1]  }
0x2c: {  	s7 =	sld [smem:$0x3FB2]  }
0x2d: {  	s3 =	simm.s32 $0x108;
	s8 =	sld [smem:$0x3FB3]  }
0x2e: {  	s3 =	simm.s32 @!p0 $0x1082;
	s9 =	sld [smem:$0x3FB4]  }
0x2f: {  	lr =	sadd.s32 s0, s3;
	s0 =	sld [smem:$0x3FAB]  }
0x30: {  	s3 =	sld [smem:$0x3FAE]  }
0x31: {  	[smem:$0x3FB7] =	sst s10  }
0x32: {  	s10 =	sld [smem:$0x3FB5];
	_ =	sdelay $0x3  }
0x33: {  	p0 =	seq.s32 s10, $0x1;
	s10 =	sld [smem:$0x3FB7];
	_ =	sdelay $0x3  }
0x34: {  	[smem:$0x3FB7] =	sst s10  }
0x35: {  	s10 =	sld [smem:$0x3FB6];
	_ =	sdelay $0x3  }
0x36: {  	p1 =	seq.s32 s10, $0x1;
	s10 =	sld [smem:$0x3FB7];
	_ =	sdelay $0x3  }
0x37: {  	[smem:$0x3FB7] =	sst s10  }
0x38: {  	s10 =	sld [smem:$0x3FB8]  }
0x39: {  	_ = 	snop;
	(pc) =	sbr.ind lr, $3  }
0x3a: {  	_ = 	snop  }
0x3b: {  	_ = 	snop  }
0x3c: {  	p2 =	seq.s32 s10, $0x1;
	s10 =	sld [smem:$0x3FB7]  }
0x3d: {  	_ =	shalt  }
0x3e: {  	_ =	shalt  }
0x3f: {  	_ =	shalt  }
0x40: {  	_ =	shalt  }
0x41: {  	_ =	shalt  }
0x42: {  	_ =	shalt  }
0x43: {  	_ =	shalt  }
0x44: {  	_ =	shalt  }
0x45: {  	_ =	shalt  }
0x46: {  	_ =	shalt  }
0x47: {  	_ =	shalt  }
0x48: {  	_ =	shalt  }
0x49: {  	_ =	shalt  }
0x4a: {  	_ =	shalt  }
0x4b: {  	_ =	shalt  }
0x4c: {  	_ =	shalt  }
0x4d: {  	_ =	shalt  }
0x4e: {  	_ =	shalt  }
0x4f: {  	_ =	shalt  }
0x50: {  	_ =	shalt  }
0x51: {  	_ =	shalt  }
0x52: {  	_ =	shalt  }
0x53: {  	_ =	shalt  }
0x54: {  	_ =	shalt  }
0x55: {  	_ =	shalt  }
0x56: {  	_ =	shalt  }
0x57: {  	_ =	shalt  }
0x58: {  	_ =	shalt  }
0x59: {  	_ =	shalt  }
0x5a: {  	_ =	shalt  }
0x5b: {  	_ =	shalt  }
0x5c: {  	_ =	shalt  }
0x5d: {  	_ =	shalt  }
0x5e: {  	_ =	shalt  }
0x5f: {  	_ =	shalt  }
0x60: {  	_ =	shalt  }
0x61: {  	_ =	shalt  }
0x62: {  	_ =	shalt  }
0x63: {  	_ =	shalt  }
0x64: {  	_ =	shalt  }
0x65: {  	_ =	shalt  }
0x66: {  	_ =	shalt  }
0x67: {  	_ =	shalt  }
0x68: {  	_ =	shalt  }
0x69: {  	_ =	shalt  }
0x6a: {  	_ =	shalt  }
0x6b: {  	_ =	shalt  }
0x6c: {  	_ =	shalt  }
0x6d: {  	_ =	shalt  }
0x6e: {  	_ =	shalt  }
0x6f: {  	_ =	shalt  }
0x70: {  	_ =	shalt  }
0x71: {  	_ =	shalt  }
0x72: {  	_ =	shalt  }
0x73: {  	_ =	shalt  }
0x74: {  	_ =	shalt  }
0x75: {  	_ =	shalt  }
0x76: {  	_ =	shalt  }
0x77: {  	_ =	shalt  }
0x78: {  	_ =	shalt  }
0x79: {  	_ =	shalt  }
0x7a: {  	_ =	shalt  }
0x7b: {  	_ =	shalt  }
0x7c: {  	_ =	shalt  }
0x7d: {  	_ =	shalt  }
0x7e: {  	_ =	shalt  }
0x7f: {  	_ =	shalt  }
0x80: {  	_ =	shalt  }
0x81: {  	_ =	shalt  }
0x82: {  	_ =	shalt  }
0x83: {  	_ =	shalt  }
0x84: {  	_ =	shalt  }
0x85: {  	_ =	shalt  }
0x86: {  	_ =	shalt  }
0x87: {  	_ =	shalt  }
.Lfunc_end0:
.L_simem_size_0:
called_computation_lowered:
.L_overlay_start_0:
0x88: {  	s2 =	sld [smem:$0x3FD9]  }
0x89: {  	s3 =	sld [smem:$0x3FFE];
	_ =	sdelay $0x1  }
0x8a: {  	s1 =	srdreg.scid  }
0x8b: {  	s0 =	sand.u32 $0x1, s1  }
0x8c: {  	s17 =	sshll.u32 s0, $0xA;
	s2 =	sadd.s32 s3, s2  }
0x8d: {  	s2 =	sadd.s32 s2, s17  }
0x8e: {  	[smem:$0x3FC3] =	sst s2  }
0x8f: {  	_ = 	snop  }
0x90: {  	s2 =	sld [smem:$0x3FC9]  }
0x91: {  	s18 =	sld [smem:$0x3FD0];
	(tm) =	ssettm $0x1  }
0x92: {  	s4 =	sld [smem:$0x3FFB];
	_ =	sdelay $0x3  }
0x93: {  	_ =	strace s4  }
0x94: {  	s4 =	sld [smem:$0x3FFC];
	_ =	sdelay $0x3  }
0x95: {  	_ =	strace s4  }
0x96: {  	s4 =	sld [smem:$0x3FFD];
	_ =	sdelay $0x3  }
0x97: {  	_ =	strace s4  }
0x98: {  	_ =	strace $0x8FFFFFFF  }
0x99: {  	s19 =	sld [smem:$0x3FDB];
	_ =	sdelay $0x1  }
0x9a: {  	s5 =	simm.s32 $_scs_section_size  }
0x9b: {  	s6 =	simm.s32 $_size__tile_overlayer_lowered;
	s7 =	simm.s32 $_tile_overlayer_lowered  }
0x9c: {  	s22 =	simm.s32 $0x1BFF;
	s21 =	sshll.u32 s7, $0x1;
	s4 =	sadd.s32 s5, s19  }
0x9d: {  	s8 =	simm.s32 $0x0;
	s20 =	sshll.u32 s6, $0x1;
	s6 =	sadd.s32 s21, s4  }
0x9e: {  	[timem:s8], [sflag:s22] =	dma.local [hbm:s6], s20  }
0x9f: {  	_ =	swait.ge [sflag:s22], s20  }
0xa0: {  	s5 =	ssub.s32 $0x0, s20;
	[sflag:s22] =	ssyncset.done $0x0  }
0xa1: {  	[sflag:s22] =	ssyncadd.s32 s5;
	_ =	sdelay $0x1  }
0xa2: {  	s23 =	simm.s32 $0x1B8B  }
0xa3: {  	_ =	swait.ge [sflag:s23], $0x1  }
0xa4: {  	[sflag:s23] =	ssyncset.done $0x0  }
0xa5: {  	s25 =	simm.s32 $0x1B8E;
	s24 =	sld [smem:$0x3FFE];
	[sflag:s23] =	ssyncadd.s32 $0xFFFFFFFF  }
0xa6: {  	s26 =	simm.s32 $execute0_lowered;
	[smem:$0x3FD2] =	sst s25  }
0xa7: {  	s6 =	sshll.u32 s26, $0x1;
	_ =	strace $0x80000046;
	[dreg:$0x1] =	wrdreg $0xFFFFFFFF  }
0xa8: {  	s28 =	simm.s32 $_size_execute0_lowered;
	s4 =	sadd.s32 s4, s6;
	[dreg:$0x0] =	wrdreg $0x0  }
0xa9: {  	s6 =	sshll.u32 s28, $0x1;
	[dreg:$0x2] =	wrdreg s4  }
0xaa: {  	[dreg:$0x3] =	wrdreg s6  }
0xab: {  	[dreg:$0x4] =	wrdreg $0xC0  }
0xac: {  	_ =	task [dreg:s8], $0x5FFFF  }
0xad: {  	[dreg:$0x1] =	wrdreg $0xFFFFFFFF  }
0xae: {  	[dreg:$0x0] =	wrdreg $0x60  }
0xaf: {  	[dreg:$0x2] =	wrdreg s2  }
0xb0: {  	[dreg:$0x3] =	wrdreg s24  }
0xb1: {  	[dreg:$0x4] =	wrdreg s18  }
0xb2: {  	[dreg:$0x5] =	wrdreg $0xA8000  }
0xb3: {  	[dreg:$0x6] =	wrdreg $0x1E1000  }
0xb4: {  	[dreg:$0x7] =	wrdreg $0x9  }
0xb5: {  	_ =	task.clear_ibuf [dreg:s8], $0x8FFFF;
	_ =	strace $0x90000046  }
0xb6: {  	s29 =	simm.s32 $0x9;
	_ =	strace $0x80000048  }
0xb7: {  	_ =	swait.ge [sflag:s29], $0x1  }
0xb8: {  	[sflag:s29] =	ssyncadd.s32 $0xFFFFFFFF  }
0xb9: {  	_ =	strace $0x90000048  }
0xba: {  	_ =	sfence  }
0xbb: {  	s30 =	sld [smem:$0x0];
	_ =	sdelay $0x2  }
0xbc: {  	s31 =	sshll.u32 s1, $0xD;
	s1 =	sshrl.u32 s1, $0x2  }
0xbd: {  	s3 =	sand.u32 $0x4000, s31;
	s1 =	sadd.s32 s1, s30  }
0xbe: {  	s0 =	sor.u32 s3, s0;
	s1 =	sshll.u32 s1, $0x11  }
0xbf: {  	s0 =	sor.u32 s1, s0  }
0xc0: {  	s0 =	sadd.s32 $0x8F2B, s0  }
0xc1: {  	[sflag:s0] =	ssyncadd.remote.s32 $0x1  }
0xc2: {  	_ =	sfence.sel $0xFFFF  }
0xc3: {  	[dreg:$0x0] =	wrdreg $0xFFFFFFFF;
	(pc) =	sbr.abs _section_cstart, $3  }
0xc4: {  	[dreg:$0x1] =	wrdreg $0xFFFFFFFF  }
0xc5: {  	_ =	task.clear_ibuf [dreg:s8], $0x2FFFF;
	_ =	strace $0x9FFFFFFF  }
0xc6: {  	(tm) =	ssettm $0x7FFFFFFF  }
0xc7: {  	_ =	shalt  }
tec
execute0_lowered:
.L_overlay_start_1:
0x0: {  	(tag) =	ssettag $0x1  }
0x1: {  	s1 =	rddreg [dreg:$0x0]  }
0x2: {  	s0 =	rddreg [dreg:$0x1]  }
0x3: {  	s5 =	rddreg [dreg:$0x2]  }
0x4: {  	s2 =	rddreg [dreg:$0x3]  }
0x5: {  	s3 =	rddreg [dreg:$0x4]  }
0x6: {  	s4 =	simm.s32 $0x0;
	s6 =	srdreg.scid;
	s16 =	stileid.u32  }
0x7: {  	s29 =	simm.s32 $0x5800;
	s30 =	simm.s32 $0x80;
	s31 =	simm.s32 $0x6800  }
0x8: {  	s28 =	simm.s32 $0x6;
	[smem:$0x7FF] =	sst s4;
	s7 =	sand.u32 $0x1, s6  }
0x9: {  	s8 =	sadd.s32 $0x1A00, s0;
	s9 =	smul.u32 $0x4E000, s16;
	s10 =	sadd.s32 $0xCA00, s0  }
0xa: {  	s15 =	sshll.u32 s16, $0x1;
	s14 =	smul.u32 $0x13800, s16;
	p0 =	sne.s32 s16, $0x0  }
0xb: {  	s16 =	simm.s32 $0x4;
	_ =	strace $0x80000047;
	s6 =	sshll.u32 s7, $0xB  }
0xc: {  	s11 =	ssub.s32 $0x2, s7;
	s12 =	sor.u32 s7, s15;
	s7 =	smul.u32 $0x138800, s7  }
0xd: {  	s0 =	sadd.s32 s6, s0;
	s17 =	sshrl.u32 s9, $0x2;
	s13 =	smul.u32 $0x500, s12  }
0xe: {  	s18 =	sshrl.u32 s11, $0x1;
	s12 =	smul.u32 $0x2800, s12;
	s6 =	sadd.s32 s17, s2  }
0xf: {  	s9 =	ssub.s32 s11, s18;
	s11 =	sadd.s32 $0x138000, s2;
	s14 =	sadd.s32 s14, s7  }
0x10: {  	s7 =	sshrl.u32 s7, $0x3;
	s0 =	sadd.s32 $0xBA00, s0;
	s17 =	simm.s32 $0x5  }
0x11: {  	s18 =	simm.s32 $0x7;
	s19 =	sadd.s32 $0x4000, s6;
	[dreg:$0xe] =	wrdreg s0  }
0x12: {  	s20 =	sadd.s32 $0x8000, s6;
	s21 =	sadd.s32 $0xC000, s6;
	[dreg:$0x6] =	wrdreg s19  }
0x13: {  	s22 =	sadd.s32 $0x10000, s6;
	s15 =	sadd.s32 s8, s13;
	[dreg:$0x7] =	wrdreg s20  }
0x14: {  	s13 =	sadd.s32 s5, s13;
	s12 =	sshrl.u32 s12, $0x3;
	[dreg:$0x8] =	wrdreg s21  }
0x15: {  	s23 =	sshrl.u32 s14, $0x3;
	s7 =	sadd.s32 s10, s7;
	[dreg:$0x9] =	wrdreg s22  }
0x16: {  	s26 =	smax.u32 s9, $0x1;
	s14 =	simm.s32 $0x2;
	[dreg:$0xa] =	wrdreg s15  }
0x17: {  	s12 =	sadd.s32 $0x280, s12;
	s24 =	sadd.s32 s10, s23;
	s25 =	sadd.s32 $0x27000, s7  }
0x18: {  	[dreg:$0xf] =	wrdreg s26;
	s20 =	simm.s32 $0x2800;
	s21 =	simm.s32 $0x9  }
0x19: {  	s22 =	simm.s32 $0x1400;
	s23 =	simm.s32 $0x20;
	s26 =	simm.s32 $0x4800  }
0x1a: {  	v0 =	vlaneseq.u32;
	s10 =	simm.s32 $0x9800;
	s19 =	simm.s32 $0x8;
	[dreg:$0xc] =	wrdreg s24  }
0x1b: {  	v1 =	vimm.f32 $0.0e+00;
	v2 =	vimm.f32 $1.000000000e+00;
	v3 =	vor.u32 $0x10, v0;
	s8 =	sadd.s32 s8, s12;
	s15 =	sadd.s32 s5, s12;
	[dreg:$0xd] =	wrdreg s25  }
0x1c: {  	v4 =	vor.u32 $0x20, v0;
	v5 =	vor.u32 $0x30, v0;
	v6 =	vor.u32 $0x40, v0;
	s24 =	simm.s32 $0x3800;
	s5 =	simm.s32 $0x7800;
	s12 =	simm.s32 $0x1  }
0x1d: {  	v7 =	vor.u32 $0x50, v0;
	v8 =	vor.u32 $0x60, v0;
	v9 =	vor.u32 $0x70, v0;
	s25 =	simm.s32 $0x3;
	[dreg:$0xb] =	wrdreg s8;
	s8 =	simm.s32 $0x8800  }
.LBB2_1:
0x1e: {  	s0 =	simm.s32 $0x0;
	s9 =	simm.s32 $0x200  }
.LBB2_2:
0x1f: {  	p1 =	sne.s32 s9, $0xFE00;
	[tilespmem:s0+$0x2870] =	vst v1  }
0x20: {  	[tilespmem:s0+$0x2800] =	vst v1  }
0x21: {  	[tilespmem:s0+$0x2810] =	vst v1  }
.Ltmp0:
0x22: {  	[tilespmem:s0+$0x2820] =	vst v1;
	(pc) =	sbr.rel @p1 .LBB2_2-.Ltmp0, $4  }
0x23: {  	[tilespmem:s0+$0x2830] =	vst v1  }
0x24: {  	[tilespmem:s0+$0x2840] =	vst v1  }
0x25: {  	[tilespmem:s0+$0x2850] =	vst v1  }
0x26: {  	[tilespmem:s0+$0x2860] =	vst v1;
	s0 =	sshra.s32 s9, $0x2;
	s9 =	sadd.s32 $0x200, s9  }
0x27: {  	[tilespmem:s0+$0x2870] =	vst v1  }
0x28: {  	[tilespmem:s0+$0x2800] =	vst v1  }
0x29: {  	[tilespmem:s0+$0x2810] =	vst v1  }
0x2a: {  	[tilespmem:s0+$0x2820] =	vst v1  }
0x2b: {  	[tilespmem:s0+$0x2830] =	vst v1  }
0x2c: {  	[tilespmem:s0+$0x2840] =	vst v1  }
0x2d: {  	[tilespmem:s0+$0x2850] =	vst v1  }
0x2e: {  	[tilespmem:s0+$0x2860] =	vst v1  }
0x2f: {  	[spmem:s6] =	stream.linear.scatter [tilespmem:s20], [sflag:$0x9], $0x4000, $0x38;
	[tilespmem:$0x1E500] =	vst v63  }
0x30: {  	_ =	swait.ge [sflag:s21], $0x4000  }
0x31: {  	[sflag:s21] =	ssyncset.done $0x0  }
0x32: {  	s9 =	rddreg [dreg:$0x6];
	[sflag:s21] =	ssyncadd.s32 $0xFFFFC000  }
0x33: {  	[spmem:s9] =	stream.linear.scatter [tilespmem:s20], [sflag:$0x9], $0x4000, $0x38;
	[tilespmem:$0x1E500] =	vst v63  }
0x34: {  	_ =	swait.ge [sflag:s21], $0x4000  }
0x35: {  	[sflag:s21] =	ssyncset.done $0x0  }
0x36: {  	s7 =	rddreg [dreg:$0x7];
	[sflag:s21] =	ssyncadd.s32 $0xFFFFC000  }
0x37: {  	[spmem:s7] =	stream.linear.scatter [tilespmem:s20], [sflag:$0x9], $0x4000, $0x38;
	[tilespmem:$0x1E500] =	vst v63  }
0x38: {  	_ =	swait.ge [sflag:s21], $0x4000  }
0x39: {  	[sflag:s21] =	ssyncset.done $0x0  }
0x3a: {  	s9 =	rddreg [dreg:$0x8];
	[sflag:s21] =	ssyncadd.s32 $0xFFFFC000  }
0x3b: {  	[spmem:s9] =	stream.linear.scatter [tilespmem:s20], [sflag:$0x9], $0x4000, $0x38;
	[tilespmem:$0x1E500] =	vst v63  }
0x3c: {  	_ =	swait.ge [sflag:s21], $0x4000  }
0x3d: {  	[sflag:s21] =	ssyncset.done $0x0  }
0x3e: {  	s7 =	rddreg [dreg:$0x9];
	[sflag:s21] =	ssyncadd.s32 $0xFFFFC000  }
0x3f: {  	[spmem:s7] =	stream.linear.scatter [tilespmem:s20], [sflag:$0x9], $0x3800, $0x38;
	[tilespmem:$0x1E500] =	vst v63  }
0x40: {  	_ =	swait.ge [sflag:s21], $0x3800  }
0x41: {  	[sflag:s21] =	ssyncset.done $0x0  }
0x42: {  	s0 =	simm.s32 @!p0 $0x2800;
	[sflag:s21] =	ssyncadd.s32 $0xFFFFC800  }
0x43: {  	[spmem:s11] =	stream.linear.scatter @!p0 [tilespmem:s0], [sflag:$0x9], $0x1000, $0x38;
	[tilespmem:$0x1E500] =	vst v63  }
0x44: {  	s0 =	simm.s32 @!p0 $0x9  }
0x45: {  	_ =	swait.ge @!p0 [sflag:s0], $0x1000  }
0x46: {  	[sflag:s0] =	ssyncset.done @!p0 $0x0  }
0x47: {  	[sflag:s0] =	ssyncadd.s32 @!p0 $0xFFFFF000  }
0x48: {  	[bflag:$0x0] =	sbarrier.arrive $0xFFFF  }
0x49: {  	s9 =	simm.s32 $0x0;
	s7 =	rddreg [dreg:$0xa]  }
0x4a: {  	[tilespmem:s9], [sflag:$0x9] =	stream.linear.gather [hbm4b:s7+s9], $0x1400, $0x38;
	[tilespmem:$0x1E500] =	vst v63  }
0x4b: {  	_ =	swait.ge [sflag:s21], $0x1400  }
0x4c: {  	[sflag:s21] =	ssyncset.done $0x0  }
0x4d: {  	[sflag:s21] =	ssyncadd.s32 $0xFFFFEC00  }
0x4e: {  	[tilespmem:s22], [sflag:$0x9] =	stream.linear.gather [hbm4b:s13+s9], $0x1400, $0x38;
	[tilespmem:$0x1E500] =	vst v63  }
0x4f: {  	_ =	swait.ge [sflag:s21], $0x1400  }
0x50: {  	[sflag:s21] =	ssyncset.done $0x0  }
0x51: {  	[sflag:s21] =	ssyncadd.s32 $0xFFFFEC00  }
0x52: {  	[tilespmem:s20], [sflag:$0x1] =	stream.indirect.gather [hbm4b:s1+s23], $0x80, s9, s23, $0xb8;
	[tilespmem:$0x1E500] =	vst v63  }
0x53: {  	_ = 	snop  }
0x54: {  	[tilespmem:s24], [sflag:$0x2] =	stream.indirect.gather [hbm4b:s1+s23], $0x80, s23, s23, $0xb8;
	[tilespmem:$0x1E500] =	vst v63  }
0x55: {  	s7 =	simm.s32 $0x40  }
0x56: {  	[tilespmem:s26], [sflag:$0x3] =	stream.indirect.gather [hbm4b:s1+s23], $0x80, s7, s23, $0xb8;
	[tilespmem:$0x1E500] =	vst v63  }
0x57: {  	s9 =	simm.s32 $0x60  }
0x58: {  	[tilespmem:s29], [sflag:$0x4] =	stream.indirect.gather [hbm4b:s1+s23], $0x80, s9, s23, $0xb8;
	[tilespmem:$0x1E500] =	vst v63  }
0x59: {  	_ = 	snop  }
0x5a: {  	[tilespmem:s31], [sflag:$0x5] =	stream.indirect.gather [hbm4b:s1+s23], $0x80, s30, s23, $0xb8;
	[tilespmem:$0x1E500] =	vst v63  }
0x5b: {  	s7 =	simm.s32 $0xA0  }
0x5c: {  	[tilespmem:s5], [sflag:$0x6] =	stream.indirect.gather [hbm4b:s1+s23], $0x80, s7, s23, $0xb8;
	[tilespmem:$0x1E500] =	vst v63  }
0x5d: {  	s9 =	simm.s32 $0xC0  }
0x5e: {  	[tilespmem:s8], [sflag:$0x7] =	stream.indirect.gather [hbm4b:s1+s23], $0x80, s9, s23, $0xb8;
	[tilespmem:$0x1E500] =	vst v63  }
0x5f: {  	s7 =	simm.s32 $0xE0  }
0x60: {  	[tilespmem:s10], [sflag:$0x8] =	stream.indirect.gather [hbm4b:s1+s23], $0x80, s7, s23, $0xb8;
	[tilespmem:$0x1E500] =	vst v63  }
0x61: {  	_ =	swait.ge [sflag:s12], $0x1000  }
0x62: {  	[sflag:s12] =	ssyncset.done $0x0  }
0x63: {  	[sflag:s12] =	ssyncadd.s32 $0xFFFFF000  }
0x64: {  	_ =	swait.ge [sflag:s14], $0x1000  }
0x65: {  	[sflag:s14] =	ssyncset.done $0x0  }
0x66: {  	[sflag:s14] =	ssyncadd.s32 $0xFFFFF000  }
0x67: {  	_ =	swait.ge [sflag:s25], $0x1000  }
0x68: {  	[sflag:s25] =	ssyncset.done $0x0  }
0x69: {  	[sflag:s25] =	ssyncadd.s32 $0xFFFFF000  }
0x6a: {  	_ =	swait.ge [sflag:s16], $0x1000  }
0x6b: {  	[sflag:s16] =	ssyncset.done $0x0  }
0x6c: {  	s9 =	simm.s32 $0x1400;
	[sflag:s16] =	ssyncadd.s32 $0xFFFFF000  }
0x6d: {  	[spmem:s2] =	stream.indirect.scatter.add.f32 [tilespmem:s20], [sflag:$0x9], $0x80, s9, s30, $0xb8;
	[tilespmem:$0x1E500] =	vst v63  }
0x6e: {  	_ =	swait.ge [sflag:s21], $0x4000  }
0x6f: {  	[sflag:s21] =	ssyncset.done $0x0  }
0x70: {  	s7 =	simm.s32 $0x100;
	[sflag:s21] =	ssyncadd.s32 $0xFFFFC000  }
0x71: {  	[tilespmem:s20], [sflag:$0x1] =	stream.indirect.gather [hbm4b:s1+s23], $0x80, s7, s23, $0xb8;
	[tilespmem:$0x1E500] =	vst v63  }
0x72: {  	s9 =	simm.s32 $0x120  }
0x73: {  	[tilespmem:s24], [sflag:$0x2] =	stream.indirect.gather [hbm4b:s1+s23], $0x80, s9, s23, $0xb8;
	[tilespmem:$0x1E500] =	vst v63  }
0x74: {  	s7 =	simm.s32 $0x140  }
0x75: {  	[tilespmem:s26], [sflag:$0x3] =	stream.indirect.gather [hbm4b:s1+s23], $0x80, s7, s23, $0xb8;
	[tilespmem:$0x1E500] =	vst v63  }
0x76: {  	s9 =	simm.s32 $0x160  }
0x77: {  	[tilespmem:s29], [sflag:$0x4] =	stream.indirect.gather [hbm4b:s1+s23], $0x80, s9, s23, $0xb8;
	[tilespmem:$0x1E500] =	vst v63  }
0x78: {  	_ =	swait.ge [sflag:s17], $0x1000  }
0x79: {  	[sflag:s17] =	ssyncset.done $0x0  }
0x7a: {  	[sflag:s17] =	ssyncadd.s32 $0xFFFFF000  }
0x7b: {  	_ =	swait.ge [sflag:s28], $0x1000  }
0x7c: {  	[sflag:s28] =	ssyncset.done $0x0  }
0x7d: {  	[sflag:s28] =	ssyncadd.s32 $0xFFFFF000  }
0x7e: {  	_ =	swait.ge [sflag:s18], $0x1000  }
0x7f: {  	[sflag:s18] =	ssyncset.done $0x0  }
0x80: {  	[sflag:s18] =	ssyncadd.s32 $0xFFFFF000  }
0x81: {  	_ =	swait.ge [sflag:s19], $0x1000  }
0x82: {  	[sflag:s19] =	ssyncset.done $0x0  }
0x83: {  	s7 =	simm.s32 $0x1480;
	[sflag:s19] =	ssyncadd.s32 $0xFFFFF000  }
0x84: {  	[spmem:s2] =	stream.indirect.scatter.add.f32 [tilespmem:s31], [sflag:$0x9], $0x80, s7, s30, $0xb8;
	[tilespmem:$0x1E500] =	vst v63  }
0x85: {  	_ =	swait.ge [sflag:s21], $0x4000  }
0x86: {  	[sflag:s21] =	ssyncset.done $0x0  }
0x87: {  	s9 =	simm.s32 $0x180;
	[sflag:s21] =	ssyncadd.s32 $0xFFFFC000  }
0x88: {  	[tilespmem:s31], [sflag:$0x5] =	stream.indirect.gather [hbm4b:s1+s23], $0x80, s9, s23, $0xb8;
	[tilespmem:$0x1E500] =	vst v63  }
0x89: {  	s7 =	simm.s32 $0x1A0  }
0x8a: {  	[tilespmem:s5], [sflag:$0x6] =	stream.indirect.gather [hbm4b:s1+s23], $0x80, s7, s23, $0xb8;
	[tilespmem:$0x1E500] =	vst v63  }
0x8b: {  	s9 =	simm.s32 $0x1C0  }
0x8c: {  	[tilespmem:s8], [sflag:$0x7] =	stream.indirect.gather [hbm4b:s1+s23], $0x80, s9, s23, $0xb8;
	[tilespmem:$0x1E500] =	vst v63  }
0x8d: {  	s0 =	simm.s32 $0x1E0;
	s9 =	simm.s32 $0x400  }
.LBB2_4:
0x8e: {  	[tilespmem:s10], [sflag:$0x8] =	stream.indirect.gather [hbm4b:s1+s23], $0x80, s0, s23, $0xb8;
	[tilespmem:$0x1E500] =	vst v63  }
0x8f: {  	s0 =	smov.u32 s9  }
0x90: {  	p1 =	sne.s32 s9, $0x4800;
	s9 =	sadd.s32 $0x400, s9;
	_ =	swait.ge [sflag:s12], $0x1000  }
0x91: {  	[sflag:s12] =	ssyncset.done $0x0  }
0x92: {  	[sflag:s12] =	ssyncadd.s32 $0xFFFFF000  }
0x93: {  	_ =	swait.ge [sflag:s14], $0x1000  }
0x94: {  	[sflag:s14] =	ssyncset.done $0x0  }
0x95: {  	[sflag:s14] =	ssyncadd.s32 $0xFFFFF000  }
0x96: {  	_ =	swait.ge [sflag:s25], $0x1000  }
0x97: {  	[sflag:s25] =	ssyncset.done $0x0  }
0x98: {  	[sflag:s25] =	ssyncadd.s32 $0xFFFFF000  }
0x99: {  	_ =	swait.ge [sflag:s16], $0x1000  }
0x9a: {  	s0 =	sshra.s32 s0, $0x2;
	[sflag:s16] =	ssyncset.done $0x0  }
0x9b: {  	s7 =	sadd.s32 $0x1400, s0;
	[sflag:s16] =	ssyncadd.s32 $0xFFFFF000  }
0x9c: {  	[spmem:s2] =	stream.indirect.scatter.add.f32 [tilespmem:s20], [sflag:$0x9], $0x80, s7, s30, $0xb8;
	[tilespmem:$0x1E500] =	vst v63  }
0x9d: {  	_ =	swait.ge [sflag:s21], $0x4000  }
0x9e: {  	[sflag:s21] =	ssyncset.done $0x0  }
0x9f: {  	s7 =	sadd.s32 $0x100, s0;
	[sflag:s21] =	ssyncadd.s32 $0xFFFFC000  }
0xa0: {  	[tilespmem:s20], [sflag:$0x1] =	stream.indirect.gather [hbm4b:s1+s23], $0x80, s7, s23, $0xb8;
	[tilespmem:$0x1E500] =	vst v63  }
0xa1: {  	s7 =	sadd.s32 $0x120, s0  }
0xa2: {  	[tilespmem:s24], [sflag:$0x2] =	stream.indirect.gather [hbm4b:s1+s23], $0x80, s7, s23, $0xb8;
	[tilespmem:$0x1E500] =	vst v63  }
0xa3: {  	s7 =	sadd.s32 $0x140, s0  }
0xa4: {  	[tilespmem:s26], [sflag:$0x3] =	stream.indirect.gather [hbm4b:s1+s23], $0x80, s7, s23, $0xb8;
	[tilespmem:$0x1E500] =	vst v63  }
0xa5: {  	s7 =	sadd.s32 $0x160, s0  }
0xa6: {  	[tilespmem:s29], [sflag:$0x4] =	stream.indirect.gather [hbm4b:s1+s23], $0x80, s7, s23, $0xb8;
	[tilespmem:$0x1E500] =	vst v63  }
0xa7: {  	_ =	swait.ge [sflag:s17], $0x1000  }
0xa8: {  	[sflag:s17] =	ssyncset.done $0x0  }
0xa9: {  	[sflag:s17] =	ssyncadd.s32 $0xFFFFF000  }
0xaa: {  	_ =	swait.ge [sflag:s28], $0x1000  }
0xab: {  	[sflag:s28] =	ssyncset.done $0x0  }
0xac: {  	[sflag:s28] =	ssyncadd.s32 $0xFFFFF000  }
0xad: {  	_ =	swait.ge [sflag:s18], $0x1000  }
0xae: {  	[sflag:s18] =	ssyncset.done $0x0  }
0xaf: {  	[sflag:s18] =	ssyncadd.s32 $0xFFFFF000  }
0xb0: {  	_ =	swait.ge [sflag:s19], $0x1000  }
0xb1: {  	[sflag:s19] =	ssyncset.done $0x0  }
0xb2: {  	s7 =	sadd.s32 $0x1480, s0;
	[sflag:s19] =	ssyncadd.s32 $0xFFFFF000  }
0xb3: {  	[spmem:s2] =	stream.indirect.scatter.add.f32 [tilespmem:s31], [sflag:$0x9], $0x80, s7, s30, $0xb8;
	[tilespmem:$0x1E500] =	vst v63  }
0xb4: {  	_ =	swait.ge [sflag:s21], $0x4000  }
0xb5: {  	[sflag:s21] =	ssyncset.done $0x0  }
0xb6: {  	s7 =	sadd.s32 $0x180, s0;
	[sflag:s21] =	ssyncadd.s32 $0xFFFFC000  }
0xb7: {  	[tilespmem:s31], [sflag:$0x5] =	stream.indirect.gather [hbm4b:s1+s23], $0x80, s7, s23, $0xb8;
	[tilespmem:$0x1E500] =	vst v63  }
.Ltmp1:
0xb8: {  	s7 =	sadd.s32 $0x1A0, s0;
	(pc) =	sbr.rel @p1 .LBB2_4-.Ltmp1, $4  }
0xb9: {  	[tilespmem:s5], [sflag:$0x6] =	stream.indirect.gather [hbm4b:s1+s23], $0x80, s7, s23, $0xb8;
	[tilespmem:$0x1E500] =	vst v63  }
0xba: {  	s7 =	sadd.s32 $0x1C0, s0  }
0xbb: {  	[tilespmem:s8], [sflag:$0x7] =	stream.indirect.gather [hbm4b:s1+s23], $0x80, s7, s23, $0xb8;
	[tilespmem:$0x1E500] =	vst v63  }
0xbc: {  	s0 =	sadd.s32 $0x1E0, s0  }
0xbd: {  	[tilespmem:s10], [sflag:$0x8] =	stream.indirect.gather [hbm4b:s1+s23], $0x80, s0, s23, $0xb8;
	[tilespmem:$0x1E500] =	vst v63  }
0xbe: {  	_ =	swait.ge [sflag:s12], $0x1000  }
0xbf: {  	[sflag:s12] =	ssyncset.done $0x0  }
0xc0: {  	[sflag:s12] =	ssyncadd.s32 $0xFFFFF000  }
0xc1: {  	_ =	swait.ge [sflag:s14], $0x1000  }
0xc2: {  	[sflag:s14] =	ssyncset.done $0x0  }
0xc3: {  	[sflag:s14] =	ssyncadd.s32 $0xFFFFF000  }
0xc4: {  	_ =	swait.ge [sflag:s25], $0x1000  }
0xc5: {  	[sflag:s25] =	ssyncset.done $0x0  }
0xc6: {  	[sflag:s25] =	ssyncadd.s32 $0xFFFFF000  }
0xc7: {  	_ =	swait.ge [sflag:s16], $0x1000  }
0xc8: {  	[sflag:s16] =	ssyncset.done $0x0  }
0xc9: {  	s9 =	simm.s32 $0x2700;
	[sflag:s16] =	ssyncadd.s32 $0xFFFFF000  }
0xca: {  	[spmem:s2] =	stream.indirect.scatter.add.f32 [tilespmem:s20], [sflag:$0x9], $0x80, s9, s30, $0xb8;
	[tilespmem:$0x1E500] =	vst v63  }
0xcb: {  	_ =	swait.ge [sflag:s21], $0x4000  }
0xcc: {  	[sflag:s21] =	ssyncset.done $0x0  }
0xcd: {  	[sflag:s21] =	ssyncadd.s32 $0xFFFFC000  }
0xce: {  	_ =	swait.ge [sflag:s17], $0x1000  }
0xcf: {  	[sflag:s17] =	ssyncset.done $0x0  }
0xd0: {  	[sflag:s17] =	ssyncadd.s32 $0xFFFFF000  }
0xd1: {  	_ =	swait.ge [sflag:s28], $0x1000  }
0xd2: {  	[sflag:s28] =	ssyncset.done $0x0  }
0xd3: {  	[sflag:s28] =	ssyncadd.s32 $0xFFFFF000  }
0xd4: {  	_ =	swait.ge [sflag:s18], $0x1000  }
0xd5: {  	[sflag:s18] =	ssyncset.done $0x0  }
0xd6: {  	[sflag:s18] =	ssyncadd.s32 $0xFFFFF000  }
0xd7: {  	_ =	swait.ge [sflag:s19], $0x1000  }
0xd8: {  	[sflag:s19] =	ssyncset.done $0x0  }
0xd9: {  	s7 =	simm.s32 $0x2780;
	[sflag:s19] =	ssyncadd.s32 $0xFFFFF000  }
0xda: {  	[spmem:s2] =	stream.indirect.scatter.add.f32 [tilespmem:s31], [sflag:$0x9], $0x80, s7, s30, $0xb8;
	[tilespmem:$0x1E500] =	vst v63  }
0xdb: {  	_ =	swait.ge [sflag:s21], $0x4000  }
0xdc: {  	[sflag:s21] =	ssyncset.done $0x0  }
0xdd: {  	s9 =	simm.s32 $0x0;
	s7 =	rddreg [dreg:$0xb];
	[sflag:s21] =	ssyncadd.s32 $0xFFFFC000  }
0xde: {  	[tilespmem:s9], [sflag:$0x9] =	stream.linear.gather [hbm4b:s7+s9], $0x1400, $0x38;
	[tilespmem:$0x1E500] =	vst v63  }
0xdf: {  	_ =	swait.ge [sflag:s21], $0x1400  }
0xe0: {  	[sflag:s21] =	ssyncset.done $0x0  }
0xe1: {  	[sflag:s21] =	ssyncadd.s32 $0xFFFFEC00  }
0xe2: {  	[tilespmem:s22], [sflag:$0x9] =	stream.linear.gather [hbm4b:s15+s9], $0x1400, $0x38;
	[tilespmem:$0x1E500] =	vst v63  }
0xe3: {  	_ =	swait.ge [sflag:s21], $0x1400  }
0xe4: {  	[sflag:s21] =	ssyncset.done $0x0  }
0xe5: {  	[sflag:s21] =	ssyncadd.s32 $0xFFFFEC00  }
0xe6: {  	[tilespmem:s20], [sflag:$0x1] =	stream.indirect.gather [hbm4b:s1+s23], $0x80, s9, s23, $0xb8;
	[tilespmem:$0x1E500] =	vst v63  }
0xe7: {  	_ = 	snop  }
0xe8: {  	[tilespmem:s24], [sflag:$0x2] =	stream.indirect.gather [hbm4b:s1+s23], $0x80, s23, s23, $0xb8;
	[tilespmem:$0x1E500] =	vst v63  }
0xe9: {  	s7 =	simm.s32 $0x40  }
0xea: {  	[tilespmem:s26], [sflag:$0x3] =	stream.indirect.gather [hbm4b:s1+s23], $0x80, s7, s23, $0xb8;
	[tilespmem:$0x1E500] =	vst v63  }
0xeb: {  	s9 =	simm.s32 $0x60  }
0xec: {  	[tilespmem:s29], [sflag:$0x4] =	stream.indirect.gather [hbm4b:s1+s23], $0x80, s9, s23, $0xb8;
	[tilespmem:$0x1E500] =	vst v63  }
0xed: {  	_ = 	snop  }
0xee: {  	[tilespmem:s31], [sflag:$0x5] =	stream.indirect.gather [hbm4b:s1+s23], $0x80, s30, s23, $0xb8;
	[tilespmem:$0x1E500] =	vst v63  }
0xef: {  	s7 =	simm.s32 $0xA0  }
0xf0: {  	[tilespmem:s5], [sflag:$0x6] =	stream.indirect.gather [hbm4b:s1+s23], $0x80, s7, s23, $0xb8;
	[tilespmem:$0x1E500] =	vst v63  }
0xf1: {  	s9 =	simm.s32 $0xC0  }
0xf2: {  	[tilespmem:s8], [sflag:$0x7] =	stream.indirect.gather [hbm4b:s1+s23], $0x80, s9, s23, $0xb8;
	[tilespmem:$0x1E500] =	vst v63  }
0xf3: {  	s7 =	simm.s32 $0xE0  }
0xf4: {  	[tilespmem:s10], [sflag:$0x8] =	stream.indirect.gather [hbm4b:s1+s23], $0x80, s7, s23, $0xb8;
	[tilespmem:$0x1E500] =	vst v63  }
0xf5: {  	_ =	swait.ge [sflag:s12], $0x1000  }
0xf6: {  	[sflag:s12] =	ssyncset.done $0x0  }
0xf7: {  	[sflag:s12] =	ssyncadd.s32 $0xFFFFF000  }
0xf8: {  	_ =	swait.ge [sflag:s14], $0x1000  }
0xf9: {  	[sflag:s14] =	ssyncset.done $0x0  }
0xfa: {  	[sflag:s14] =	ssyncadd.s32 $0xFFFFF000  }
0xfb: {  	_ =	swait.ge [sflag:s25], $0x1000  }
0xfc: {  	[sflag:s25] =	ssyncset.done $0x0  }
0xfd: {  	[sflag:s25] =	ssyncadd.s32 $0xFFFFF000  }
0xfe: {  	_ =	swait.ge [sflag:s16], $0x1000  }
0xff: {  	[sflag:s16] =	ssyncset.done $0x0  }
0x100: {  	s9 =	simm.s32 $0x1400;
	[sflag:s16] =	ssyncadd.s32 $0xFFFFF000  }
0x101: {  	[spmem:s2] =	stream.indirect.scatter.add.f32 [tilespmem:s20], [sflag:$0x9], $0x80, s9, s30, $0xb8;
	[tilespmem:$0x1E500] =	vst v63  }
0x102: {  	_ =	swait.ge [sflag:s21], $0x4000  }
0x103: {  	[sflag:s21] =	ssyncset.done $0x0  }
0x104: {  	s7 =	simm.s32 $0x100;
	[sflag:s21] =	ssyncadd.s32 $0xFFFFC000  }
0x105: {  	[tilespmem:s20], [sflag:$0x1] =	stream.indirect.gather [hbm4b:s1+s23], $0x80, s7, s23, $0xb8;
	[tilespmem:$0x1E500] =	vst v63  }
0x106: {  	s9 =	simm.s32 $0x120  }
0x107: {  	[tilespmem:s24], [sflag:$0x2] =	stream.indirect.gather [hbm4b:s1+s23], $0x80, s9, s23, $0xb8;
	[tilespmem:$0x1E500] =	vst v63  }
0x108: {  	s7 =	simm.s32 $0x140  }
0x109: {  	[tilespmem:s26], [sflag:$0x3] =	stream.indirect.gather [hbm4b:s1+s23], $0x80, s7, s23, $0xb8;
	[tilespmem:$0x1E500] =	vst v63  }
0x10a: {  	s9 =	simm.s32 $0x160  }
0x10b: {  	[tilespmem:s29], [sflag:$0x4] =	stream.indirect.gather [hbm4b:s1+s23], $0x80, s9, s23, $0xb8;
	[tilespmem:$0x1E500] =	vst v63  }
0x10c: {  	_ =	swait.ge [sflag:s17], $0x1000  }
0x10d: {  	[sflag:s17] =	ssyncset.done $0x0  }
0x10e: {  	[sflag:s17] =	ssyncadd.s32 $0xFFFFF000  }
0x10f: {  	_ =	swait.ge [sflag:s28], $0x1000  }
0x110: {  	[sflag:s28] =	ssyncset.done $0x0  }
0x111: {  	[sflag:s28] =	ssyncadd.s32 $0xFFFFF000  }
0x112: {  	_ =	swait.ge [sflag:s18], $0x1000  }
0x113: {  	[sflag:s18] =	ssyncset.done $0x0  }
0x114: {  	[sflag:s18] =	ssyncadd.s32 $0xFFFFF000  }
0x115: {  	_ =	swait.ge [sflag:s19], $0x1000  }
0x116: {  	[sflag:s19] =	ssyncset.done $0x0  }
0x117: {  	s7 =	simm.s32 $0x1480;
	[sflag:s19] =	ssyncadd.s32 $0xFFFFF000  }
0x118: {  	[spmem:s2] =	stream.indirect.scatter.add.f32 [tilespmem:s31], [sflag:$0x9], $0x80, s7, s30, $0xb8;
	[tilespmem:$0x1E500] =	vst v63  }
0x119: {  	_ =	swait.ge [sflag:s21], $0x4000  }
0x11a: {  	[sflag:s21] =	ssyncset.done $0x0  }
0x11b: {  	s9 =	simm.s32 $0x180;
	[sflag:s21] =	ssyncadd.s32 $0xFFFFC000  }
0x11c: {  	[tilespmem:s31], [sflag:$0x5] =	stream.indirect.gather [hbm4b:s1+s23], $0x80, s9, s23, $0xb8;
	[tilespmem:$0x1E500] =	vst v63  }
0x11d: {  	s7 =	simm.s32 $0x1A0  }
0x11e: {  	[tilespmem:s5], [sflag:$0x6] =	stream.indirect.gather [hbm4b:s1+s23], $0x80, s7, s23, $0xb8;
	[tilespmem:$0x1E500] =	vst v63  }
0x11f: {  	s9 =	simm.s32 $0x1C0  }
0x120: {  	[tilespmem:s8], [sflag:$0x7] =	stream.indirect.gather [hbm4b:s1+s23], $0x80, s9, s23, $0xb8;
	[tilespmem:$0x1E500] =	vst v63  }
0x121: {  	s0 =	simm.s32 $0x1E0;
	s9 =	simm.s32 $0x400  }
.LBB2_6:
0x122: {  	[tilespmem:s10], [sflag:$0x8] =	stream.indirect.gather [hbm4b:s1+s23], $0x80, s0, s23, $0xb8;
	[tilespmem:$0x1E500] =	vst v63  }
0x123: {  	s0 =	smov.u32 s9  }
0x124: {  	p1 =	sne.s32 s9, $0x4800;
	s9 =	sadd.s32 $0x400, s9;
	_ =	swait.ge [sflag:s12], $0x1000  }
0x125: {  	[sflag:s12] =	ssyncset.done $0x0  }
0x126: {  	[sflag:s12] =	ssyncadd.s32 $0xFFFFF000  }
0x127: {  	_ =	swait.ge [sflag:s14], $0x1000  }
0x128: {  	[sflag:s14] =	ssyncset.done $0x0  }
0x129: {  	[sflag:s14] =	ssyncadd.s32 $0xFFFFF000  }
0x12a: {  	_ =	swait.ge [sflag:s25], $0x1000  }
0x12b: {  	[sflag:s25] =	ssyncset.done $0x0  }
0x12c: {  	[sflag:s25] =	ssyncadd.s32 $0xFFFFF000  }
0x12d: {  	_ =	swait.ge [sflag:s16], $0x1000  }
0x12e: {  	s0 =	sshra.s32 s0, $0x2;
	[sflag:s16] =	ssyncset.done $0x0  }
0x12f: {  	s7 =	sadd.s32 $0x1400, s0;
	[sflag:s16] =	ssyncadd.s32 $0xFFFFF000  }
0x130: {  	[spmem:s2] =	stream.indirect.scatter.add.f32 [tilespmem:s20], [sflag:$0x9], $0x80, s7, s30, $0xb8;
	[tilespmem:$0x1E500] =	vst v63  }
0x131: {  	_ =	swait.ge [sflag:s21], $0x4000  }
0x132: {  	[sflag:s21] =	ssyncset.done $0x0  }
0x133: {  	s7 =	sadd.s32 $0x100, s0;
	[sflag:s21] =	ssyncadd.s32 $0xFFFFC000  }
0x134: {  	[tilespmem:s20], [sflag:$0x1] =	stream.indirect.gather [hbm4b:s1+s23], $0x80, s7, s23, $0xb8;
	[tilespmem:$0x1E500] =	vst v63  }
0x135: {  	s7 =	sadd.s32 $0x120, s0  }
0x136: {  	[tilespmem:s24], [sflag:$0x2] =	stream.indirect.gather [hbm4b:s1+s23], $0x80, s7, s23, $0xb8;
	[tilespmem:$0x1E500] =	vst v63  }
0x137: {  	s7 =	sadd.s32 $0x140, s0  }
0x138: {  	[tilespmem:s26], [sflag:$0x3] =	stream.indirect.gather [hbm4b:s1+s23], $0x80, s7, s23, $0xb8;
	[tilespmem:$0x1E500] =	vst v63  }
0x139: {  	s7 =	sadd.s32 $0x160, s0  }
0x13a: {  	[tilespmem:s29], [sflag:$0x4] =	stream.indirect.gather [hbm4b:s1+s23], $0x80, s7, s23, $0xb8;
	[tilespmem:$0x1E500] =	vst v63  }
0x13b: {  	_ =	swait.ge [sflag:s17], $0x1000  }
0x13c: {  	[sflag:s17] =	ssyncset.done $0x0  }
0x13d: {  	[sflag:s17] =	ssyncadd.s32 $0xFFFFF000  }
0x13e: {  	_ =	swait.ge [sflag:s28], $0x1000  }
0x13f: {  	[sflag:s28] =	ssyncset.done $0x0  }
0x140: {  	[sflag:s28] =	ssyncadd.s32 $0xFFFFF000  }
0x141: {  	_ =	swait.ge [sflag:s18], $0x1000  }
0x142: {  	[sflag:s18] =	ssyncset.done $0x0  }
0x143: {  	[sflag:s18] =	ssyncadd.s32 $0xFFFFF000  }
0x144: {  	_ =	swait.ge [sflag:s19], $0x1000  }
0x145: {  	[sflag:s19] =	ssyncset.done $0x0  }
0x146: {  	s7 =	sadd.s32 $0x1480, s0;
	[sflag:s19] =	ssyncadd.s32 $0xFFFFF000  }
0x147: {  	[spmem:s2] =	stream.indirect.scatter.add.f32 [tilespmem:s31], [sflag:$0x9], $0x80, s7, s30, $0xb8;
	[tilespmem:$0x1E500] =	vst v63  }
0x148: {  	_ =	swait.ge [sflag:s21], $0x4000  }
0x149: {  	[sflag:s21] =	ssyncset.done $0x0  }
0x14a: {  	s7 =	sadd.s32 $0x180, s0;
	[sflag:s21] =	ssyncadd.s32 $0xFFFFC000  }
0x14b: {  	[tilespmem:s31], [sflag:$0x5] =	stream.indirect.gather [hbm4b:s1+s23], $0x80, s7, s23, $0xb8;
	[tilespmem:$0x1E500] =	vst v63  }
.Ltmp2:
0x14c: {  	s7 =	sadd.s32 $0x1A0, s0;
	(pc) =	sbr.rel @p1 .LBB2_6-.Ltmp2, $4  }
0x14d: {  	[tilespmem:s5], [sflag:$0x6] =	stream.indirect.gather [hbm4b:s1+s23], $0x80, s7, s23, $0xb8;
	[tilespmem:$0x1E500] =	vst v63  }
0x14e: {  	s7 =	sadd.s32 $0x1C0, s0  }
0x14f: {  	[tilespmem:s8], [sflag:$0x7] =	stream.indirect.gather [hbm4b:s1+s23], $0x80, s7, s23, $0xb8;
	[tilespmem:$0x1E500] =	vst v63  }
0x150: {  	s0 =	sadd.s32 $0x1E0, s0  }
0x151: {  	[tilespmem:s10], [sflag:$0x8] =	stream.indirect.gather [hbm4b:s1+s23], $0x80, s0, s23, $0xb8;
	[tilespmem:$0x1E500] =	vst v63  }
0x152: {  	_ =	swait.ge [sflag:s12], $0x1000  }
0x153: {  	[sflag:s12] =	ssyncset.done $0x0  }
0x154: {  	[sflag:s12] =	ssyncadd.s32 $0xFFFFF000  }
0x155: {  	_ =	swait.ge [sflag:s14], $0x1000  }
0x156: {  	[sflag:s14] =	ssyncset.done $0x0  }
0x157: {  	[sflag:s14] =	ssyncadd.s32 $0xFFFFF000  }
0x158: {  	_ =	swait.ge [sflag:s25], $0x1000  }
0x159: {  	[sflag:s25] =	ssyncset.done $0x0  }
0x15a: {  	[sflag:s25] =	ssyncadd.s32 $0xFFFFF000  }
0x15b: {  	_ =	swait.ge [sflag:s16], $0x1000  }
0x15c: {  	[sflag:s16] =	ssyncset.done $0x0  }
0x15d: {  	s9 =	simm.s32 $0x2700;
	[sflag:s16] =	ssyncadd.s32 $0xFFFFF000  }
0x15e: {  	[spmem:s2] =	stream.indirect.scatter.add.f32 [tilespmem:s20], [sflag:$0x9], $0x80, s9, s30, $0xb8;
	[tilespmem:$0x1E500] =	vst v63  }
0x15f: {  	_ =	swait.ge [sflag:s21], $0x4000  }
0x160: {  	[sflag:s21] =	ssyncset.done $0x0  }
0x161: {  	[sflag:s21] =	ssyncadd.s32 $0xFFFFC000  }
0x162: {  	_ =	swait.ge [sflag:s17], $0x1000  }
0x163: {  	[sflag:s17] =	ssyncset.done $0x0  }
0x164: {  	[sflag:s17] =	ssyncadd.s32 $0xFFFFF000  }
0x165: {  	_ =	swait.ge [sflag:s28], $0x1000  }
0x166: {  	[sflag:s28] =	ssyncset.done $0x0  }
0x167: {  	[sflag:s28] =	ssyncadd.s32 $0xFFFFF000  }
0x168: {  	_ =	swait.ge [sflag:s18], $0x1000  }
0x169: {  	[sflag:s18] =	ssyncset.done $0x0  }
0x16a: {  	[sflag:s18] =	ssyncadd.s32 $0xFFFFF000  }
0x16b: {  	_ =	swait.ge [sflag:s19], $0x1000  }
0x16c: {  	[sflag:s19] =	ssyncset.done $0x0  }
0x16d: {  	s7 =	simm.s32 $0x2780;
	[sflag:s19] =	ssyncadd.s32 $0xFFFFF000  }
0x16e: {  	[spmem:s2] =	stream.indirect.scatter.add.f32 [tilespmem:s31], [sflag:$0x9], $0x80, s7, s30, $0xb8;
	[tilespmem:$0x1E500] =	vst v63  }
0x16f: {  	_ =	swait.ge [sflag:s21], $0x4000  }
0x170: {  	[sflag:s21] =	ssyncset.done $0x0  }
0x171: {  	s9 =	stileid.u32;
	[sflag:s21] =	ssyncadd.s32 $0xFFFFC000  }
0x172: {  	s0 =	sshll.u32 s9, $0x6;
	[bflag:$0x0] =	sbarrier.arrive $0xFFFF  }
0x173: {  	s9 =	sor.u32 $0x1C09, s0;
	s0 =	sshrl.u32 s6, $0x3;
	s7 =	rddreg [dreg:$0xc]  }
0x174: {  	[hbm:s7], [sflag:s9] =	dma.local [spmem:s0], $0x2700  }
0x175: {  	_ =	swait.ge [sflag:s21], $0x2700  }
0x176: {  	[sflag:s21] =	ssyncset.done $0x0  }
0x177: {  	s0 =	sshrl.u32 @!p0 s11, $0x3;
	s7 =	rddreg [dreg:$0xd];
	[sflag:s21] =	ssyncadd.s32 $0xFFFFD900  }
0x178: {  	[hbm:s7], [sflag:s9] =	dma.local @!p0 [spmem:s0], $0x100  }
0x179: {  	s0 =	simm.s32 @!p0 $0x9  }
0x17a: {  	_ =	swait.ge @!p0 [sflag:s0], $0x100  }
0x17b: {  	[sflag:s0] =	ssyncset.done @!p0 $0x0  }
0x17c: {  	[sflag:s0] =	ssyncadd.s32 @!p0 $0xFFFFFF00  }
0x17d: {  	s7 =	simm.s32 $0x200;
	s0 =	simm.s32 $0x0;
	[bflag:$0x0] =	sbarrier.arrive $0xFFFF  }
.LBB2_8:
0x17e: {  	p1 =	sne.s32 s7, $0xFE00;
	[tilespmem:s0+$0x2870] =	vst v1  }
0x17f: {  	[tilespmem:s0+$0x2800] =	vst v1  }
0x180: {  	[tilespmem:s0+$0x2810] =	vst v1  }
.Ltmp3:
0x181: {  	[tilespmem:s0+$0x2820] =	vst v1;
	(pc) =	sbr.rel @p1 .LBB2_8-.Ltmp3, $4  }
0x182: {  	[tilespmem:s0+$0x2830] =	vst v1  }
0x183: {  	[tilespmem:s0+$0x2840] =	vst v1  }
0x184: {  	[tilespmem:s0+$0x2850] =	vst v1  }
0x185: {  	[tilespmem:s0+$0x2860] =	vst v1;
	s0 =	sshra.s32 s7, $0x2;
	s7 =	sadd.s32 $0x200, s7  }
0x186: {  	[tilespmem:s0+$0x2870] =	vst v1  }
0x187: {  	[tilespmem:s0+$0x2800] =	vst v1  }
0x188: {  	[tilespmem:s0+$0x2810] =	vst v1  }
0x189: {  	[tilespmem:s0+$0x2820] =	vst v1  }
0x18a: {  	[tilespmem:s0+$0x2830] =	vst v1  }
0x18b: {  	[tilespmem:s0+$0x2840] =	vst v1  }
0x18c: {  	[tilespmem:s0+$0x2850] =	vst v1  }
0x18d: {  	[tilespmem:s0+$0x2860] =	vst v1;
	s0 =	simm.s32 @!p0 $0x2800  }
0x18e: {  	[spmem:s3] =	stream.linear.scatter @!p0 [tilespmem:s0], [sflag:$0x9], $0x4000, $0x38;
	[tilespmem:$0x1E500] =	vst v63  }
0x18f: {  	s0 =	simm.s32 @!p0 $0x9  }
0x190: {  	_ =	swait.ge @!p0 [sflag:s0], $0x4000  }
0x191: {  	[sflag:s0] =	ssyncset.done @!p0 $0x0  }
0x192: {  	[sflag:s0] =	ssyncadd.s32 @!p0 $0xFFFFC000  }
0x193: {  	s0 =	simm.s32 $0x0;
	[bflag:$0x0] =	sbarrier.arrive $0xFFFF  }
0x194: {  	[tilespmem:s22], [sflag:$0x9] =	stream.linear.gather [hbm4b:s13+s0], $0x1400, $0x38;
	[tilespmem:$0x1E500] =	vst v63  }
0x195: {  	_ =	swait.ge [sflag:s21], $0x1400  }
0x196: {  	[sflag:s21] =	ssyncset.done $0x0  }
0x197: {  	[sflag:s21] =	ssyncadd.s32 $0xFFFFEC00  }
.LBB2_10:
0x198: {  	s7 =	sshra.s32 s0, $0x2  }
0x199: {  	v10 =	vld [tilespmem:s7+$0x1400];
	_ =	sdelay $0x7  }
0x19a: {  	[tilespmem:v10+s20+$0x0] =	vst.idx.add.f32.msk $0xffff, v2  }
0x19b: {  	v10 =	vld [tilespmem:s7+$0x1410];
	_ =	sdelay $0x7  }
0x19c: {  	[tilespmem:v10+s20+$0x0] =	vst.idx.add.f32.msk $0xffff, v2  }
0x19d: {  	v10 =	vld [tilespmem:s7+$0x1420];
	_ =	sdelay $0x7  }
0x19e: {  	[tilespmem:v10+s20+$0x0] =	vst.idx.add.f32.msk $0xffff, v2  }
0x19f: {  	v10 =	vld [tilespmem:s7+$0x1430];
	_ =	sdelay $0x7  }
0x1a0: {  	[tilespmem:v10+s20+$0x0] =	vst.idx.add.f32.msk $0xffff, v2  }
0x1a1: {  	v10 =	vld [tilespmem:s7+$0x1440];
	_ =	sdelay $0x7  }
0x1a2: {  	[tilespmem:v10+s20+$0x0] =	vst.idx.add.f32.msk $0xffff, v2  }
0x1a3: {  	v10 =	vld [tilespmem:s7+$0x1450];
	_ =	sdelay $0x7  }
0x1a4: {  	[tilespmem:v10+s20+$0x0] =	vst.idx.add.f32.msk $0xffff, v2  }
0x1a5: {  	v10 =	vld [tilespmem:s7+$0x1460];
	_ =	sdelay $0x7  }
0x1a6: {  	[tilespmem:v10+s20+$0x0] =	vst.idx.add.f32.msk $0xffff, v2  }
0x1a7: {  	v10 =	vld [tilespmem:s7+$0x1470];
	_ =	sdelay $0x2  }
0x1a8: {  	p1 =	sne.s32 s0, $0x4E00  }
.Ltmp4:
0x1a9: {  	_ = 	snop;
	(pc) =	sbr.rel @p1 .LBB2_10-.Ltmp4, $2  }
0x1aa: {  	_ =	sdelay $0x2  }
0x1ab: {  	s0 =	sadd.s32 $0x200, s0;
	[tilespmem:v10+s20+$0x0] =	vst.idx.add.f32.msk $0xffff, v2  }
0x1ac: {  	s0 =	simm.s32 $0x0  }
0x1ad: {  	[tilespmem:s22], [sflag:$0x9] =	stream.linear.gather [hbm4b:s15+s0], $0x1400, $0x38;
	[tilespmem:$0x1E500] =	vst v63  }
0x1ae: {  	_ =	swait.ge [sflag:s21], $0x1400  }
0x1af: {  	[sflag:s21] =	ssyncset.done $0x0  }
0x1b0: {  	[sflag:s21] =	ssyncadd.s32 $0xFFFFEC00  }
.LBB2_12:
0x1b1: {  	s7 =	sshra.s32 s0, $0x2  }
0x1b2: {  	v10 =	vld [tilespmem:s7+$0x1400];
	_ =	sdelay $0x7  }
0x1b3: {  	[tilespmem:v10+s20+$0x0] =	vst.idx.add.f32.msk $0xffff, v2  }
0x1b4: {  	v10 =	vld [tilespmem:s7+$0x1410];
	_ =	sdelay $0x7  }
0x1b5: {  	[tilespmem:v10+s20+$0x0] =	vst.idx.add.f32.msk $0xffff, v2  }
0x1b6: {  	v10 =	vld [tilespmem:s7+$0x1420];
	_ =	sdelay $0x7  }
0x1b7: {  	[tilespmem:v10+s20+$0x0] =	vst.idx.add.f32.msk $0xffff, v2  }
0x1b8: {  	v10 =	vld [tilespmem:s7+$0x1430];
	_ =	sdelay $0x7  }
0x1b9: {  	[tilespmem:v10+s20+$0x0] =	vst.idx.add.f32.msk $0xffff, v2  }
0x1ba: {  	v10 =	vld [tilespmem:s7+$0x1440];
	_ =	sdelay $0x7  }
0x1bb: {  	[tilespmem:v10+s20+$0x0] =	vst.idx.add.f32.msk $0xffff, v2  }
0x1bc: {  	v10 =	vld [tilespmem:s7+$0x1450];
	_ =	sdelay $0x7  }
0x1bd: {  	[tilespmem:v10+s20+$0x0] =	vst.idx.add.f32.msk $0xffff, v2  }
0x1be: {  	v10 =	vld [tilespmem:s7+$0x1460];
	_ =	sdelay $0x7  }
0x1bf: {  	[tilespmem:v10+s20+$0x0] =	vst.idx.add.f32.msk $0xffff, v2  }
0x1c0: {  	v10 =	vld [tilespmem:s7+$0x1470];
	_ =	sdelay $0x2  }
0x1c1: {  	p1 =	sne.s32 s0, $0x4E00  }
.Ltmp5:
0x1c2: {  	_ = 	snop;
	(pc) =	sbr.rel @p1 .LBB2_12-.Ltmp5, $2  }
0x1c3: {  	_ =	sdelay $0x2  }
0x1c4: {  	s0 =	sadd.s32 $0x200, s0;
	[tilespmem:v10+s20+$0x0] =	vst.idx.add.f32.msk $0xffff, v2  }
0x1c5: {  	[tilespmem:$0x1400] =	vst v0  }
0x1c6: {  	[tilespmem:$0x1410] =	vst v3  }
0x1c7: {  	[tilespmem:$0x1420] =	vst v4  }
0x1c8: {  	[tilespmem:$0x1430] =	vst v5  }
0x1c9: {  	[tilespmem:$0x1440] =	vst v6  }
0x1ca: {  	[tilespmem:$0x1450] =	vst v7  }
0x1cb: {  	[tilespmem:$0x1460] =	vst v8  }
0x1cc: {  	[tilespmem:$0x1470] =	vst v9  }
0x1cd: {  	[spmem:s3] =	stream.indirect.scatter.add.f32 [tilespmem:s20], [sflag:$0x9], $0x80, s22, s30, $0xb8;
	[tilespmem:$0x1E500] =	vst v63  }
0x1ce: {  	_ =	swait.ge [sflag:s21], $0x4000  }
0x1cf: {  	[sflag:s21] =	ssyncset.done $0x0  }
0x1d0: {  	[sflag:s21] =	ssyncadd.s32 $0xFFFFC000  }
0x1d1: {  	[bflag:$0x0] =	sbarrier.arrive $0xFFFF  }
0x1d2: {  	s0 =	sshrl.u32 @!p0 s3, $0x3;
	s7 =	rddreg [dreg:$0xe]  }
0x1d3: {  	[hbm:s7], [sflag:s9] =	dma.local @!p0 [spmem:s0], $0x800  }
0x1d4: {  	s0 =	simm.s32 @!p0 $0x9  }
0x1d5: {  	_ =	swait.ge @!p0 [sflag:s0], $0x800  }
0x1d6: {  	s4 =	sadd.s32 $0x1, s4;
	s9 =	rddreg [dreg:$0xf]  }
0x1d7: {  	p1 =	sne.s32 s4, s9  }
.Ltmp6:
0x1d8: {  	_ = 	snop;
	(pc) =	sbr.rel @p1 .LBB2_1-.Ltmp6, $3  }
0x1d9: {  	_ =	sdelay $0x1  }
0x1da: {  	[sflag:s0] =	ssyncset.done @!p0 $0x0  }
0x1db: {  	[sflag:s0] =	ssyncadd.s32 @!p0 $0xFFFFF800  }
0x1dc: {  	_ =	sfence.sel $0x180000  }
0x1dd: {  	[bflag:$0x0] =	sbarrier.arrive $0xFFFF  }
0x1de: {  	_ =	strace $0x90000047  }
0x1df: {  	[bflag:$0x2] =	sbarrier.arrive $0xFFFF  }
0x1e0: {  	s0 =	rddreg [dreg:$0x5]  }
0x1e1: {  	s0 =	sadd.s32 @!p0 $0x100000, s0  }
0x1e2: {  	[sflag:s0] =	ssyncadd.tile.s32 @!p0 $0x1;
	_ =	shalt  }
.Lfunc_end2:
_tile_overlayer_lowered:
.L_overlay_start_2:
0x1e3: {  	(tag) =	ssettag $0x2  }
0x1e4: {  	s0 =	rddreg [dreg:$0x0];
	s2 =	stileid.u32  }
0x1e5: {  	s1 =	rddreg [dreg:$0x1];
	p0 =	sne.s32 s2, $0x0  }
0x1e6: {  	s3 =	rddreg [dreg:$0x2];
	[bflag:$0x3] =	sbarrier.arrive $0xFFFF;
	s2 =	simm.s32 @!p0 $0x1C09  }
0x1e7: {  	[timem:s3], [sflag:s2] =	dma.local @!p0 [hbm:s0], s1  }
0x1e8: {  	s0 =	simm.s32 @!p0 $0x9  }
0x1e9: {  	_ =	swait.ge @!p0 [sflag:s0], s1  }
0x1ea: {  	s1 =	ssub.s32 @!p0 $0x0, s1;
	[sflag:s0] =	ssyncset.done @!p0 $0x0  }
0x1eb: {  	[sflag:s0] =	ssyncadd.s32 @!p0 s1  }
0x1ec: {  	[bflag:$0x3] =	sbarrier.arrive $0xFFFF  }
0x1ed: {  	_ =	shalt  }

</sc_bundles>
